<compile_context>
chip_gen: v7x
topology: tpu7x:2x2x1
jax: 0.10.2.dev20260603
libtpu: 0.0.44.dev20260713+nightly
codegen_flags: <defaults>
</compile_context>

<pallas_src>
import functools

import jax
import jax.numpy as jnp
from jax import lax
from jax.experimental import pallas as pl
from jax.experimental.pallas import tpu as pltpu
from jax.experimental.pallas import tpu_sc as plsc

_NC, _NS = 2, 16
_NW = _NC * _NS
_D = 1024
_SEQ = 8192
_B = 4
_T = 8
_ROWS_PER_W = _SEQ // _NW
_NCHUNK = _ROWS_PER_W // _T
_NSTEP = _NCHUNK * _B
_RING = 8
_PF = 4


def _sc_body(x_hbm, pos_hbm, out_hbm, *refs):
    posb = refs[0:2]
    xb = refs[2:2 + _RING]
    ps = refs[2 + _RING:4 + _RING]
    ls = refs[4 + _RING:4 + 2 * _RING]
    ss = refs[4 + 2 * _RING:4 + 3 * _RING]
    wid = lax.axis_index("s") * _NC + lax.axis_index("c")
    base = wid * _ROWS_PER_W

    def x_slice(g):
        return (g & 3, pl.ds(base + (g >> 2) * _T, _T))

    def issue_load(g, j):
        b, rows = x_slice(g)
        pltpu.async_copy(x_hbm.at[b, rows], xb[j], ls[j])

    pltpu.async_copy(pos_hbm.at[pl.ds(base, _T)], posb[0], ps[0])
    for g0 in range(_PF):
        issue_load(g0, g0)

    @pl.loop(0, _NCHUNK, step=2)
    def _chunk_pair(cbase):
        for cc in range(2):
            c = cbase + cc
            pltpu.make_async_copy(
                pos_hbm.at[pl.ds(base + c * _T, _T)], posb[cc], ps[cc]
            ).wait()

            @pl.when(c + 1 < _NCHUNK)
            def _():
                pltpu.async_copy(
                    pos_hbm.at[pl.ds(base + (c + 1) * _T, _T)],
                    posb[1 - cc], ps[1 - cc])

            for b in range(_B):
                t = cc * _B + b
                g = cbase * _B + t
                j = t % _RING
                jn = (t + _PF) % _RING

                @pl.when(g + _PF < _NSTEP)
                def _():
                    @pl.when(g >= _RING - _PF)
                    def _():
                        bp, rp = x_slice(g + _PF - _RING)
                        pltpu.make_async_copy(
                            xb[jn], out_hbm.at[bp, rp], ss[jn]).wait()
                    issue_load(g + _PF, jn)

                bg, rg = x_slice(g)
                pltpu.make_async_copy(x_hbm.at[bg, rg], xb[j], ls[j]).wait()

                @plsc.parallel_loop(0, _T * _D, step=16, unroll=8)
                def _add(k):
                    i = k >> 10
                    col = pl.multiple_of(k & (_D - 1), 16)
                    plsc.addupdate(xb[j].at[i, pl.ds(col, 16)],
                                   posb[cc][i, pl.ds(col, 16)])

                pltpu.async_copy(xb[j], out_hbm.at[bg, rg], ss[j])

    for t in range(_RING):
        g = _NSTEP - _RING + t
        bp, rp = x_slice(g)
        pltpu.make_async_copy(xb[g % _RING], out_hbm.at[bp, rp],
                              ss[g % _RING]).wait()


_sc_kernel = functools.partial(
    pl.kernel,
    out_type=jax.ShapeDtypeStruct((_B, _SEQ, _D), jnp.float32),
    mesh=plsc.VectorSubcoreMesh(
        core_axis_name="c", subcore_axis_name="s",
        num_cores=_NC, num_subcores=_NS,
    ),
    scratch_types=(
        [pltpu.VMEM((_T, _D), jnp.float32)] * (2 + _RING)
        + [pltpu.SemaphoreType.DMA] * (2 + 2 * _RING)
    ),
)(_sc_body)


def kernel(x, position_embedding):
    return _sc_kernel(x, position_embedding)

# --- scband reference (transcript-rebuilt; emitter-appended) ---
"""Pipeline reference for scband-learnable-positional-encoding-66116726555131 (READ-ONLY COPY).

The authoritative reference and input builder live on the scoring server;
editing this copy changes nothing except your own understanding.
"""

import jax, jax.numpy as jnp
import numpy as np

D_MODEL = 1024
MAX_LEN = 8192

def setup_inputs(seed: int = 0) -> dict:
    key = jax.random.key(seed)
    k_x, k_emb = jax.random.split(key)
    x = jax.random.normal(k_x, (4, 8192, D_MODEL), dtype=jnp.float32)
    position_embedding = jax.random.normal(k_emb, (MAX_LEN, D_MODEL), dtype=jnp.float32) * 0.02
    return {"x": x, "position_embedding": position_embedding}

def reference(x, position_embedding):
    batch_size, seq_len, _ = x.shape
    positions = jnp.arange(seq_len)[None, :]  # [1, S]
    pos_emb = jnp.take(position_embedding, positions, axis=0)  # [1, S, D]
    return x + pos_emb

if __name__ == "__main__":
    import jax
    _d = setup_inputs()
    print(jax.jit(kernel)(*tuple(_d.values())))

</pallas_src>

<mosaic_0001>
#map = affine_map<(d0, d1) -> (0, 0, 0)>
#map1 = affine_map<(d0, d1) -> (0, 0)>
module attributes {stable_mosaic.version = 14 : i64} {
  func.func @_sc_body(%arg0: i32, %arg1: i32, %arg2: memref<4x8192x1024xf32, #tpu.memory_space<hbm>>, %arg3: memref<8192x1024xf32, #tpu.memory_space<hbm>>, %arg4: memref<4x8192x1024xf32, #tpu.memory_space<hbm>>, %arg5: memref<8x1024xf32, #tpu.memory_space<vmem>>, %arg6: memref<8x1024xf32, #tpu.memory_space<vmem>>, %arg7: memref<8x1024xf32, #tpu.memory_space<vmem>>, %arg8: memref<8x1024xf32, #tpu.memory_space<vmem>>, %arg9: memref<8x1024xf32, #tpu.memory_space<vmem>>, %arg10: memref<8x1024xf32, #tpu.memory_space<vmem>>, %arg11: memref<8x1024xf32, #tpu.memory_space<vmem>>, %arg12: memref<8x1024xf32, #tpu.memory_space<vmem>>, %arg13: memref<8x1024xf32, #tpu.memory_space<vmem>>, %arg14: memref<8x1024xf32, #tpu.memory_space<vmem>>, %arg15: memref<!tpu.dma_semaphore, #tpu.memory_space<semaphore_mem>>, %arg16: memref<!tpu.dma_semaphore, #tpu.memory_space<semaphore_mem>>, %arg17: memref<!tpu.dma_semaphore, #tpu.memory_space<semaphore_mem>>, %arg18: memref<!tpu.dma_semaphore, #tpu.memory_space<semaphore_mem>>, %arg19: memref<!tpu.dma_semaphore, #tpu.memory_space<semaphore_mem>>, %arg20: memref<!tpu.dma_semaphore, #tpu.memory_space<semaphore_mem>>, %arg21: memref<!tpu.dma_semaphore, #tpu.memory_space<semaphore_mem>>, %arg22: memref<!tpu.dma_semaphore, #tpu.memory_space<semaphore_mem>>, %arg23: memref<!tpu.dma_semaphore, #tpu.memory_space<semaphore_mem>>, %arg24: memref<!tpu.dma_semaphore, #tpu.memory_space<semaphore_mem>>, %arg25: memref<!tpu.dma_semaphore, #tpu.memory_space<semaphore_mem>>, %arg26: memref<!tpu.dma_semaphore, #tpu.memory_space<semaphore_mem>>, %arg27: memref<!tpu.dma_semaphore, #tpu.memory_space<semaphore_mem>>, %arg28: memref<!tpu.dma_semaphore, #tpu.memory_space<semaphore_mem>>, %arg29: memref<!tpu.dma_semaphore, #tpu.memory_space<semaphore_mem>>, %arg30: memref<!tpu.dma_semaphore, #tpu.memory_space<semaphore_mem>>, %arg31: memref<!tpu.dma_semaphore, #tpu.memory_space<semaphore_mem>>, %arg32: memref<!tpu.dma_semaphore, #tpu.memory_space<semaphore_mem>>) attributes {dimension_semantics = [#tpu.dimension_semantics<core_parallel>, #tpu.dimension_semantics<subcore_parallel>], iteration_bounds = array<i64: 2, 16>, scalar_prefetch = 0 : i64, scratch_operands = 28 : i64, tpu.core_type = #tpu.core_type<sc_vector_subcore>, window_params = [{transform_indices = #map}, {transform_indices = #map1}, {transform_indices = #map}]} {
    %mul3A = arith.constant 2 : i32
    %mul3A_0 = arith.muli %arg1, %mul3A : i32
    %add3A = arith.addi %mul3A_0, %arg0 : i32
    %mul3A_1 = arith.constant 256 : i32
    %mul3A_2 = arith.muli %add3A, %mul3A_1 : i32
    %dma_start3A = arith.constant 0 : i32
    %dma_start3A_3 = tpu.memref_slice %arg3[%mul3A_2, %dma_start3A] : memref<8192x1024xf32, #tpu.memory_space<hbm>> -> memref<8x1024xf32, #tpu.memory_space<hbm>>
    %dma_start3A_4 = arith.constant 0 : i32
    %dma_start3A_5 = tpu.memref_slice %arg3[%mul3A_2, %dma_start3A_4] : memref<8192x1024xf32, #tpu.memory_space<hbm>> -> memref<8x1024xf32, #tpu.memory_space<hbm>>
    tpu.enqueue_dma source(%dma_start3A_5 : memref<8x1024xf32, #tpu.memory_space<hbm>>) target(%arg5 : memref<8x1024xf32, #tpu.memory_space<vmem>>) target_semaphore(%arg15 : memref<!tpu.dma_semaphore, #tpu.memory_space<semaphore_mem>>)
    %add3A_6 = arith.constant 0 : i32
    %add3A_7 = arith.addi %mul3A_2, %add3A_6 : i32
    %dma_start3A_8 = arith.constant 0 : i32
    %dma_start3A_9 = arith.constant 0 : i32
    %dma_start3A_10 = tpu.memref_slice %arg2[%dma_start3A_8, %add3A_7, %dma_start3A_9] : memref<4x8192x1024xf32, #tpu.memory_space<hbm>> -> memref<1x8x1024xf32, #tpu.memory_space<hbm>>
    %dma_start3A_11 = tpu.memref_squeeze %dma_start3A_10 : memref<1x8x1024xf32, #tpu.memory_space<hbm>> -> memref<8x1024xf32, #tpu.memory_space<hbm>>
    %dma_start3A_12 = arith.constant 0 : i32
    %dma_start3A_13 = tpu.memref_slice %arg2[%dma_start3A_8, %add3A_7, %dma_start3A_12] : memref<4x8192x1024xf32, #tpu.memory_space<hbm>> -> memref<1x8x1024xf32, #tpu.memory_space<hbm>>
    %dma_start3A_14 = tpu.memref_squeeze %dma_start3A_13 : memref<1x8x1024xf32, #tpu.memory_space<hbm>> -> memref<8x1024xf32, #tpu.memory_space<hbm>>
    tpu.enqueue_dma source(%dma_start3A_14 : memref<8x1024xf32, #tpu.memory_space<hbm>>) target(%arg7 : memref<8x1024xf32, #tpu.memory_space<vmem>>) target_semaphore(%arg17 : memref<!tpu.dma_semaphore, #tpu.memory_space<semaphore_mem>>)
    %add3A_15 = arith.constant 0 : i32
    %add3A_16 = arith.addi %mul3A_2, %add3A_15 : i32
    %dma_start3A_17 = arith.constant 1 : i32
    %dma_start3A_18 = arith.constant 0 : i32
    %dma_start3A_19 = tpu.memref_slice %arg2[%dma_start3A_17, %add3A_16, %dma_start3A_18] : memref<4x8192x1024xf32, #tpu.memory_space<hbm>> -> memref<1x8x1024xf32, #tpu.memory_space<hbm>>
    %dma_start3A_20 = tpu.memref_squeeze %dma_start3A_19 : memref<1x8x1024xf32, #tpu.memory_space<hbm>> -> memref<8x1024xf32, #tpu.memory_space<hbm>>
    %dma_start3A_21 = arith.constant 0 : i32
    %dma_start3A_22 = tpu.memref_slice %arg2[%dma_start3A_17, %add3A_16, %dma_start3A_21] : memref<4x8192x1024xf32, #tpu.memory_space<hbm>> -> memref<1x8x1024xf32, #tpu.memory_space<hbm>>
    %dma_start3A_23 = tpu.memref_squeeze %dma_start3A_22 : memref<1x8x1024xf32, #tpu.memory_space<hbm>> -> memref<8x1024xf32, #tpu.memory_space<hbm>>
    tpu.enqueue_dma source(%dma_start3A_23 : memref<8x1024xf32, #tpu.memory_space<hbm>>) target(%arg8 : memref<8x1024xf32, #tpu.memory_space<vmem>>) target_semaphore(%arg18 : memref<!tpu.dma_semaphore, #tpu.memory_space<semaphore_mem>>)
    %add3A_24 = arith.constant 0 : i32
    %add3A_25 = arith.addi %mul3A_2, %add3A_24 : i32
    %dma_start3A_26 = arith.constant 2 : i32
    %dma_start3A_27 = arith.constant 0 : i32
    %dma_start3A_28 = tpu.memref_slice %arg2[%dma_start3A_26, %add3A_25, %dma_start3A_27] : memref<4x8192x1024xf32, #tpu.memory_space<hbm>> -> memref<1x8x1024xf32, #tpu.memory_space<hbm>>
    %dma_start3A_29 = tpu.memref_squeeze %dma_start3A_28 : memref<1x8x1024xf32, #tpu.memory_space<hbm>> -> memref<8x1024xf32, #tpu.memory_space<hbm>>
    %dma_start3A_30 = arith.constant 0 : i32
    %dma_start3A_31 = tpu.memref_slice %arg2[%dma_start3A_26, %add3A_25, %dma_start3A_30] : memref<4x8192x1024xf32, #tpu.memory_space<hbm>> -> memref<1x8x1024xf32, #tpu.memory_space<hbm>>
    %dma_start3A_32 = tpu.memref_squeeze %dma_start3A_31 : memref<1x8x1024xf32, #tpu.memory_space<hbm>> -> memref<8x1024xf32, #tpu.memory_space<hbm>>
    tpu.enqueue_dma source(%dma_start3A_32 : memref<8x1024xf32, #tpu.memory_space<hbm>>) target(%arg9 : memref<8x1024xf32, #tpu.memory_space<vmem>>) target_semaphore(%arg19 : memref<!tpu.dma_semaphore, #tpu.memory_space<semaphore_mem>>)
    %add3A_33 = arith.constant 0 : i32
    %add3A_34 = arith.addi %mul3A_2, %add3A_33 : i32
    %dma_start3A_35 = arith.constant 3 : i32
    %dma_start3A_36 = arith.constant 0 : i32
    %dma_start3A_37 = tpu.memref_slice %arg2[%dma_start3A_35, %add3A_34, %dma_start3A_36] : memref<4x8192x1024xf32, #tpu.memory_space<hbm>> -> memref<1x8x1024xf32, #tpu.memory_space<hbm>>
    %dma_start3A_38 = tpu.memref_squeeze %dma_start3A_37 : memref<1x8x1024xf32, #tpu.memory_space<hbm>> -> memref<8x1024xf32, #tpu.memory_space<hbm>>
    %dma_start3A_39 = arith.constant 0 : i32
    %dma_start3A_40 = tpu.memref_slice %arg2[%dma_start3A_35, %add3A_34, %dma_start3A_39] : memref<4x8192x1024xf32, #tpu.memory_space<hbm>> -> memref<1x8x1024xf32, #tpu.memory_space<hbm>>
    %dma_start3A_41 = tpu.memref_squeeze %dma_start3A_40 : memref<1x8x1024xf32, #tpu.memory_space<hbm>> -> memref<8x1024xf32, #tpu.memory_space<hbm>>
    tpu.enqueue_dma source(%dma_start3A_41 : memref<8x1024xf32, #tpu.memory_space<hbm>>) target(%arg10 : memref<8x1024xf32, #tpu.memory_space<vmem>>) target_semaphore(%arg20 : memref<!tpu.dma_semaphore, #tpu.memory_space<semaphore_mem>>)
    %scan3A = arith.constant 0 : i32
    %scan3A_42 = arith.constant 16 : i32
    %scan3A_43 = arith.addi %scan3A, %scan3A_42 : i32
    %scan3A_44 = arith.constant 1 : i32
    scf.for %scan3A_117 = %scan3A to %scan3A_43 step %scan3A_44  : i32 {
      %mul3A_118 = arith.constant 2 : i32
      %mul3A_119 = arith.muli %scan3A_117, %mul3A_118 : i32
      %add3A_120 = arith.constant 0 : i32
      %add3A_121 = arith.addi %add3A_120, %mul3A_119 : i32
      %add3A_122 = arith.constant 0 : i32
      %add3A_123 = arith.addi %add3A_121, %add3A_122 : i32
      %mul3A_124 = arith.constant 8 : i32
      %mul3A_125 = arith.muli %add3A_123, %mul3A_124 : i32
      %add3A_126 = arith.addi %mul3A_2, %mul3A_125 : i32
      %dma_wait3A_127 = arith.constant 0 : i32
      %dma_wait3A_128 = tpu.memref_slice %arg3[%add3A_126, %dma_wait3A_127] : memref<8192x1024xf32, #tpu.memory_space<hbm>> -> memref<8x1024xf32, #tpu.memory_space<hbm>>
      %dma_wait3A_129 = arith.constant 0 : i32
      %dma_wait3A_130 = tpu.memref_slice %arg3[%add3A_126, %dma_wait3A_129] : memref<8192x1024xf32, #tpu.memory_space<hbm>> -> memref<8x1024xf32, #tpu.memory_space<hbm>>
      tpu.wait_dma2 semaphore(%arg15 : memref<!tpu.dma_semaphore, #tpu.memory_space<semaphore_mem>>) src(%dma_wait3A_130 : memref<8x1024xf32, #tpu.memory_space<hbm>>) dst(%arg5 : memref<8x1024xf32, #tpu.memory_space<vmem>>)
      %add3A_131 = arith.constant 1 : i32
      %add3A_132 = arith.addi %add3A_123, %add3A_131 : i32
      %lt3A = arith.constant 32 : i32
      %lt3A_133 = arith.cmpi slt, %add3A_132, %lt3A : i32
      %convert_element_type3A = arith.extui %lt3A_133 : i1 to i32
      %cond3A = arith.constant 0 : i32
      %cond3A_134 = arith.cmpi ne, %convert_element_type3A, %cond3A : i32
      scf.if %cond3A_134 {
        %add3A_412 = arith.constant 1 : i32
        %add3A_413 = arith.addi %add3A_123, %add3A_412 : i32
        %mul3A_414 = arith.constant 8 : i32
        %mul3A_415 = arith.muli %add3A_413, %mul3A_414 : i32
        %add3A_416 = arith.addi %mul3A_2, %mul3A_415 : i32
        %dma_start3A_417 = arith.constant 0 : i32
        %dma_start3A_418 = tpu.memref_slice %arg3[%add3A_416, %dma_start3A_417] : memref<8192x1024xf32, #tpu.memory_space<hbm>> -> memref<8x1024xf32, #tpu.memory_space<hbm>>
        %dma_start3A_419 = arith.constant 0 : i32
        %dma_start3A_420 = tpu.memref_slice %arg3[%add3A_416, %dma_start3A_419] : memref<8192x1024xf32, #tpu.memory_space<hbm>> -> memref<8x1024xf32, #tpu.memory_space<hbm>>
        tpu.enqueue_dma source(%dma_start3A_420 : memref<8x1024xf32, #tpu.memory_space<hbm>>) target(%arg6 : memref<8x1024xf32, #tpu.memory_space<vmem>>) target_semaphore(%arg16 : memref<!tpu.dma_semaphore, #tpu.memory_space<semaphore_mem>>)
      } else {
      }
      %mul3A_135 = arith.constant 4 : i32
      %mul3A_136 = arith.muli %add3A_121, %mul3A_135 : i32
      %add3A_137 = arith.constant 0 : i32
      %add3A_138 = arith.addi %mul3A_136, %add3A_137 : i32
      %add3A_139 = arith.constant 4 : i32
      %add3A_140 = arith.addi %add3A_138, %add3A_139 : i32
      %lt3A_141 = arith.constant 128 : i32
      %lt3A_142 = arith.cmpi slt, %add3A_140, %lt3A_141 : i32
      %convert_element_type3A_143 = arith.extui %lt3A_142 : i1 to i32
      %cond3A_144 = arith.constant 0 : i32
      %cond3A_145 = arith.cmpi ne, %convert_element_type3A_143, %cond3A_144 : i32
      scf.if %cond3A_145 {
        %ge3A = arith.constant 4 : i32
        %ge3A_412 = arith.cmpi sge, %add3A_138, %ge3A : i32
        %convert_element_type3A_413 = arith.extui %ge3A_412 : i1 to i32
        %cond3A_414 = arith.constant 0 : i32
        %cond3A_415 = arith.cmpi ne, %convert_element_type3A_413, %cond3A_414 : i32
        scf.if %cond3A_415 {
          %add3A_431 = arith.constant 4 : i32
          %add3A_432 = arith.addi %add3A_138, %add3A_431 : i32
          %sub3A = arith.constant 8 : i32
          %sub3A_433 = arith.subi %add3A_432, %sub3A : i32
          %and3A_434 = arith.constant 3 : i32
          %and3A_435 = arith.andi %sub3A_433, %and3A_434 : i32
          %shift_right_arithmetic3A_436 = arith.constant 2 : i32
          %shift_right_arithmetic3A_437 = arith.shrsi %sub3A_433, %shift_right_arithmetic3A_436 : i32
          %mul3A_438 = arith.constant 8 : i32
          %mul3A_439 = arith.muli %shift_right_arithmetic3A_437, %mul3A_438 : i32
          %add3A_440 = arith.addi %mul3A_2, %mul3A_439 : i32
          %dma_wait3A_441 = arith.constant 0 : i32
          %dma_wait3A_442 = tpu.memref_slice %arg4[%and3A_435, %add3A_440, %dma_wait3A_441] : memref<4x8192x1024xf32, #tpu.memory_space<hbm>> -> memref<1x8x1024xf32, #tpu.memory_space<hbm>>
          %dma_wait3A_443 = tpu.memref_squeeze %dma_wait3A_442 : memref<1x8x1024xf32, #tpu.memory_space<hbm>> -> memref<8x1024xf32, #tpu.memory_space<hbm>>
          %dma_wait3A_444 = arith.constant 0 : i32
          %dma_wait3A_445 = tpu.memref_slice %arg4[%and3A_435, %add3A_440, %dma_wait3A_444] : memref<4x8192x1024xf32, #tpu.memory_space<hbm>> -> memref<1x8x1024xf32, #tpu.memory_space<hbm>>
          %dma_wait3A_446 = tpu.memref_squeeze %dma_wait3A_445 : memref<1x8x1024xf32, #tpu.memory_space<hbm>> -> memref<8x1024xf32, #tpu.memory_space<hbm>>
          tpu.wait_dma2 semaphore(%arg29 : memref<!tpu.dma_semaphore, #tpu.memory_space<semaphore_mem>>) src(%arg11 : memref<8x1024xf32, #tpu.memory_space<vmem>>) dst(%dma_wait3A_446 : memref<8x1024xf32, #tpu.memory_space<hbm>>)
        } else {
        }
        %add3A_416 = arith.constant 4 : i32
        %add3A_417 = arith.addi %add3A_138, %add3A_416 : i32
        %and3A_418 = arith.constant 3 : i32
        %and3A_419 = arith.andi %add3A_417, %and3A_418 : i32
        %shift_right_arithmetic3A_420 = arith.constant 2 : i32
        %shift_right_arithmetic3A_421 = arith.shrsi %add3A_417, %shift_right_arithmetic3A_420 : i32
        %mul3A_422 = arith.constant 8 : i32
        %mul3A_423 = arith.muli %shift_right_arithmetic3A_421, %mul3A_422 : i32
        %add3A_424 = arith.addi %mul3A_2, %mul3A_423 : i32
        %dma_start3A_425 = arith.constant 0 : i32
        %dma_start3A_426 = tpu.memref_slice %arg2[%and3A_419, %add3A_424, %dma_start3A_425] : memref<4x8192x1024xf32, #tpu.memory_space<hbm>> -> memref<1x8x1024xf32, #tpu.memory_space<hbm>>
        %dma_start3A_427 = tpu.memref_squeeze %dma_start3A_426 : memref<1x8x1024xf32, #tpu.memory_space<hbm>> -> memref<8x1024xf32, #tpu.memory_space<hbm>>
        %dma_start3A_428 = arith.constant 0 : i32
        %dma_start3A_429 = tpu.memref_slice %arg2[%and3A_419, %add3A_424, %dma_start3A_428] : memref<4x8192x1024xf32, #tpu.memory_space<hbm>> -> memref<1x8x1024xf32, #tpu.memory_space<hbm>>
        %dma_start3A_430 = tpu.memref_squeeze %dma_start3A_429 : memref<1x8x1024xf32, #tpu.memory_space<hbm>> -> memref<8x1024xf32, #tpu.memory_space<hbm>>
        tpu.enqueue_dma source(%dma_start3A_430 : memref<8x1024xf32, #tpu.memory_space<hbm>>) target(%arg11 : memref<8x1024xf32, #tpu.memory_space<vmem>>) target_semaphore(%arg21 : memref<!tpu.dma_semaphore, #tpu.memory_space<semaphore_mem>>)
      } else {
      }
      %and3A = arith.constant 3 : i32
      %and3A_146 = arith.andi %add3A_138, %and3A : i32
      %shift_right_arithmetic3A = arith.constant 2 : i32
      %shift_right_arithmetic3A_147 = arith.shrsi %add3A_138, %shift_right_arithmetic3A : i32
      %mul3A_148 = arith.constant 8 : i32
      %mul3A_149 = arith.muli %shift_right_arithmetic3A_147, %mul3A_148 : i32
      %add3A_150 = arith.addi %mul3A_2, %mul3A_149 : i32
      %dma_wait3A_151 = arith.constant 0 : i32
      %dma_wait3A_152 = tpu.memref_slice %arg2[%and3A_146, %add3A_150, %dma_wait3A_151] : memref<4x8192x1024xf32, #tpu.memory_space<hbm>> -> memref<1x8x1024xf32, #tpu.memory_space<hbm>>
      %dma_wait3A_153 = tpu.memref_squeeze %dma_wait3A_152 : memref<1x8x1024xf32, #tpu.memory_space<hbm>> -> memref<8x1024xf32, #tpu.memory_space<hbm>>
      %dma_wait3A_154 = arith.constant 0 : i32
      %dma_wait3A_155 = tpu.memref_slice %arg2[%and3A_146, %add3A_150, %dma_wait3A_154] : memref<4x8192x1024xf32, #tpu.memory_space<hbm>> -> memref<1x8x1024xf32, #tpu.memory_space<hbm>>
      %dma_wait3A_156 = tpu.memref_squeeze %dma_wait3A_155 : memref<1x8x1024xf32, #tpu.memory_space<hbm>> -> memref<8x1024xf32, #tpu.memory_space<hbm>>
      tpu.wait_dma2 semaphore(%arg17 : memref<!tpu.dma_semaphore, #tpu.memory_space<semaphore_mem>>) src(%dma_wait3A_156 : memref<8x1024xf32, #tpu.memory_space<hbm>>) dst(%arg7 : memref<8x1024xf32, #tpu.memory_space<vmem>>)
      %parallel_loop3A = arith.constant 0 : i32
      %parallel_loop3A_157 = arith.constant 8192 : i32
      %parallel_loop3A_158 = arith.constant 16 : i32
      scf.for %parallel_loop3A_412 = %parallel_loop3A to %parallel_loop3A_157 step %parallel_loop3A_158  : i32 {
        %parallel_loop3A_413 = arith.constant 10 : i32
        %parallel_loop3A_414 = arith.shrsi %parallel_loop3A_412, %parallel_loop3A_413 : i32
        %parallel_loop3A_415 = arith.constant 1023 : i32
        %parallel_loop3A_416 = arith.andi %parallel_loop3A_412, %parallel_loop3A_415 : i32
        %parallel_loop3A_417 = tpu.assume_multiple %parallel_loop3A_416, 16 : i32
        %parallel_loop3A_418 = arith.index_cast %parallel_loop3A_414 : i32 to index
        %parallel_loop3A_419 = arith.index_cast %parallel_loop3A_417 : i32 to index
        %parallel_loop3A_420 = tpu.vector_load %arg5[%parallel_loop3A_418, %parallel_loop3A_419] {strides = array<i32>} : memref<8x1024xf32, #tpu.memory_space<vmem>>, vector<1x16xf32>,
        %parallel_loop3A_421 = vector.shape_cast %parallel_loop3A_420 : vector<1x16xf32> to vector<16xf32>
        %parallel_loop3A_422 = arith.index_cast %parallel_loop3A_414 : i32 to index
        %parallel_loop3A_423 = arith.index_cast %parallel_loop3A_417 : i32 to index
        %parallel_loop3A_424 = tpu.vector_load %arg7[%parallel_loop3A_422, %parallel_loop3A_423] {strides = array<i32>} : memref<8x1024xf32, #tpu.memory_space<vmem>>, vector<1x16xf32>,
        %parallel_loop3A_425 = vector.shape_cast %parallel_loop3A_424 : vector<1x16xf32> to vector<16xf32>
        %parallel_loop3A_426 = vector.shape_cast %parallel_loop3A_421 : vector<16xf32> to vector<1x16xf32>
        tpu.vector_store %arg7[%parallel_loop3A_422, %parallel_loop3A_423], %parallel_loop3A_426 {add = true, strides = array<i32>} : memref<8x1024xf32, #tpu.memory_space<vmem>>, vector<1x16xf32>,
      } {sc.loop_unroll_factor = 8 : i64, sc.parallel_access}
      %dma_start3A_159 = arith.constant 0 : i32
      %dma_start3A_160 = tpu.memref_slice %arg4[%and3A_146, %add3A_150, %dma_start3A_159] : memref<4x8192x1024xf32, #tpu.memory_space<hbm>> -> memref<1x8x1024xf32, #tpu.memory_space<hbm>>
      %dma_start3A_161 = tpu.memref_squeeze %dma_start3A_160 : memref<1x8x1024xf32, #tpu.memory_space<hbm>> -> memref<8x1024xf32, #tpu.memory_space<hbm>>
      %dma_start3A_162 = arith.constant 0 : i32
      %dma_start3A_163 = tpu.memref_slice %arg4[%and3A_146, %add3A_150, %dma_start3A_162] : memref<4x8192x1024xf32, #tpu.memory_space<hbm>> -> memref<1x8x1024xf32, #tpu.memory_space<hbm>>
      %dma_start3A_164 = tpu.memref_squeeze %dma_start3A_163 : memref<1x8x1024xf32, #tpu.memory_space<hbm>> -> memref<8x1024xf32, #tpu.memory_space<hbm>>
      tpu.enqueue_dma source(%arg7 : memref<8x1024xf32, #tpu.memory_space<vmem>>) target(%dma_start3A_164 : memref<8x1024xf32, #tpu.memory_space<hbm>>) target_semaphore(%arg25 : memref<!tpu.dma_semaphore, #tpu.memory_space<semaphore_mem>>)
      %mul3A_165 = arith.constant 4 : i32
      %mul3A_166 = arith.muli %add3A_121, %mul3A_165 : i32
      %add3A_167 = arith.constant 1 : i32
      %add3A_168 = arith.addi %mul3A_166, %add3A_167 : i32
      %add3A_169 = arith.constant 4 : i32
      %add3A_170 = arith.addi %add3A_168, %add3A_169 : i32
      %lt3A_171 = arith.constant 128 : i32
      %lt3A_172 = arith.cmpi slt, %add3A_170, %lt3A_171 : i32
      %convert_element_type3A_173 = arith.extui %lt3A_172 : i1 to i32
      %cond3A_174 = arith.constant 0 : i32
      %cond3A_175 = arith.cmpi ne, %convert_element_type3A_173, %cond3A_174 : i32
      scf.if %cond3A_175 {
        %ge3A = arith.constant 4 : i32
        %ge3A_412 = arith.cmpi sge, %add3A_168, %ge3A : i32
        %convert_element_type3A_413 = arith.extui %ge3A_412 : i1 to i32
        %cond3A_414 = arith.constant 0 : i32
        %cond3A_415 = arith.cmpi ne, %convert_element_type3A_413, %cond3A_414 : i32
        scf.if %cond3A_415 {
          %add3A_431 = arith.constant 4 : i32
          %add3A_432 = arith.addi %add3A_168, %add3A_431 : i32
          %sub3A = arith.constant 8 : i32
          %sub3A_433 = arith.subi %add3A_432, %sub3A : i32
          %and3A_434 = arith.constant 3 : i32
          %and3A_435 = arith.andi %sub3A_433, %and3A_434 : i32
          %shift_right_arithmetic3A_436 = arith.constant 2 : i32
          %shift_right_arithmetic3A_437 = arith.shrsi %sub3A_433, %shift_right_arithmetic3A_436 : i32
          %mul3A_438 = arith.constant 8 : i32
          %mul3A_439 = arith.muli %shift_right_arithmetic3A_437, %mul3A_438 : i32
          %add3A_440 = arith.addi %mul3A_2, %mul3A_439 : i32
          %dma_wait3A_441 = arith.constant 0 : i32
          %dma_wait3A_442 = tpu.memref_slice %arg4[%and3A_435, %add3A_440, %dma_wait3A_441] : memref<4x8192x1024xf32, #tpu.memory_space<hbm>> -> memref<1x8x1024xf32, #tpu.memory_space<hbm>>
          %dma_wait3A_443 = tpu.memref_squeeze %dma_wait3A_442 : memref<1x8x1024xf32, #tpu.memory_space<hbm>> -> memref<8x1024xf32, #tpu.memory_space<hbm>>
          %dma_wait3A_444 = arith.constant 0 : i32
          %dma_wait3A_445 = tpu.memref_slice %arg4[%and3A_435, %add3A_440, %dma_wait3A_444] : memref<4x8192x1024xf32, #tpu.memory_space<hbm>> -> memref<1x8x1024xf32, #tpu.memory_space<hbm>>
          %dma_wait3A_446 = tpu.memref_squeeze %dma_wait3A_445 : memref<1x8x1024xf32, #tpu.memory_space<hbm>> -> memref<8x1024xf32, #tpu.memory_space<hbm>>
          tpu.wait_dma2 semaphore(%arg30 : memref<!tpu.dma_semaphore, #tpu.memory_space<semaphore_mem>>) src(%arg12 : memref<8x1024xf32, #tpu.memory_space<vmem>>) dst(%dma_wait3A_446 : memref<8x1024xf32, #tpu.memory_space<hbm>>)
        } else {
        }
        %add3A_416 = arith.constant 4 : i32
        %add3A_417 = arith.addi %add3A_168, %add3A_416 : i32
        %and3A_418 = arith.constant 3 : i32
        %and3A_419 = arith.andi %add3A_417, %and3A_418 : i32
        %shift_right_arithmetic3A_420 = arith.constant 2 : i32
        %shift_right_arithmetic3A_421 = arith.shrsi %add3A_417, %shift_right_arithmetic3A_420 : i32
        %mul3A_422 = arith.constant 8 : i32
        %mul3A_423 = arith.muli %shift_right_arithmetic3A_421, %mul3A_422 : i32
        %add3A_424 = arith.addi %mul3A_2, %mul3A_423 : i32
        %dma_start3A_425 = arith.constant 0 : i32
        %dma_start3A_426 = tpu.memref_slice %arg2[%and3A_419, %add3A_424, %dma_start3A_425] : memref<4x8192x1024xf32, #tpu.memory_space<hbm>> -> memref<1x8x1024xf32, #tpu.memory_space<hbm>>
        %dma_start3A_427 = tpu.memref_squeeze %dma_start3A_426 : memref<1x8x1024xf32, #tpu.memory_space<hbm>> -> memref<8x1024xf32, #tpu.memory_space<hbm>>
        %dma_start3A_428 = arith.constant 0 : i32
        %dma_start3A_429 = tpu.memref_slice %arg2[%and3A_419, %add3A_424, %dma_start3A_428] : memref<4x8192x1024xf32, #tpu.memory_space<hbm>> -> memref<1x8x1024xf32, #tpu.memory_space<hbm>>
        %dma_start3A_430 = tpu.memref_squeeze %dma_start3A_429 : memref<1x8x1024xf32, #tpu.memory_space<hbm>> -> memref<8x1024xf32, #tpu.memory_space<hbm>>
        tpu.enqueue_dma source(%dma_start3A_430 : memref<8x1024xf32, #tpu.memory_space<hbm>>) target(%arg12 : memref<8x1024xf32, #tpu.memory_space<vmem>>) target_semaphore(%arg22 : memref<!tpu.dma_semaphore, #tpu.memory_space<semaphore_mem>>)
      } else {
      }
      %and3A_176 = arith.constant 3 : i32
      %and3A_177 = arith.andi %add3A_168, %and3A_176 : i32
      %shift_right_arithmetic3A_178 = arith.constant 2 : i32
      %shift_right_arithmetic3A_179 = arith.shrsi %add3A_168, %shift_right_arithmetic3A_178 : i32
      %mul3A_180 = arith.constant 8 : i32
      %mul3A_181 = arith.muli %shift_right_arithmetic3A_179, %mul3A_180 : i32
      %add3A_182 = arith.addi %mul3A_2, %mul3A_181 : i32
      %dma_wait3A_183 = arith.constant 0 : i32
      %dma_wait3A_184 = tpu.memref_slice %arg2[%and3A_177, %add3A_182, %dma_wait3A_183] : memref<4x8192x1024xf32, #tpu.memory_space<hbm>> -> memref<1x8x1024xf32, #tpu.memory_space<hbm>>
      %dma_wait3A_185 = tpu.memref_squeeze %dma_wait3A_184 : memref<1x8x1024xf32, #tpu.memory_space<hbm>> -> memref<8x1024xf32, #tpu.memory_space<hbm>>
      %dma_wait3A_186 = arith.constant 0 : i32
      %dma_wait3A_187 = tpu.memref_slice %arg2[%and3A_177, %add3A_182, %dma_wait3A_186] : memref<4x8192x1024xf32, #tpu.memory_space<hbm>> -> memref<1x8x1024xf32, #tpu.memory_space<hbm>>
      %dma_wait3A_188 = tpu.memref_squeeze %dma_wait3A_187 : memref<1x8x1024xf32, #tpu.memory_space<hbm>> -> memref<8x1024xf32, #tpu.memory_space<hbm>>
      tpu.wait_dma2 semaphore(%arg18 : memref<!tpu.dma_semaphore, #tpu.memory_space<semaphore_mem>>) src(%dma_wait3A_188 : memref<8x1024xf32, #tpu.memory_space<hbm>>) dst(%arg8 : memref<8x1024xf32, #tpu.memory_space<vmem>>)
      %parallel_loop3A_189 = arith.constant 0 : i32
      %parallel_loop3A_190 = arith.constant 8192 : i32
      %parallel_loop3A_191 = arith.constant 16 : i32
      scf.for %parallel_loop3A_412 = %parallel_loop3A_189 to %parallel_loop3A_190 step %parallel_loop3A_191  : i32 {
        %parallel_loop3A_413 = arith.constant 10 : i32
        %parallel_loop3A_414 = arith.shrsi %parallel_loop3A_412, %parallel_loop3A_413 : i32
        %parallel_loop3A_415 = arith.constant 1023 : i32
        %parallel_loop3A_416 = arith.andi %parallel_loop3A_412, %parallel_loop3A_415 : i32
        %parallel_loop3A_417 = tpu.assume_multiple %parallel_loop3A_416, 16 : i32
        %parallel_loop3A_418 = arith.index_cast %parallel_loop3A_414 : i32 to index
        %parallel_loop3A_419 = arith.index_cast %parallel_loop3A_417 : i32 to index
        %parallel_loop3A_420 = tpu.vector_load %arg5[%parallel_loop3A_418, %parallel_loop3A_419] {strides = array<i32>} : memref<8x1024xf32, #tpu.memory_space<vmem>>, vector<1x16xf32>,
        %parallel_loop3A_421 = vector.shape_cast %parallel_loop3A_420 : vector<1x16xf32> to vector<16xf32>
        %parallel_loop3A_422 = arith.index_cast %parallel_loop3A_414 : i32 to index
        %parallel_loop3A_423 = arith.index_cast %parallel_loop3A_417 : i32 to index
        %parallel_loop3A_424 = tpu.vector_load %arg8[%parallel_loop3A_422, %parallel_loop3A_423] {strides = array<i32>} : memref<8x1024xf32, #tpu.memory_space<vmem>>, vector<1x16xf32>,
        %parallel_loop3A_425 = vector.shape_cast %parallel_loop3A_424 : vector<1x16xf32> to vector<16xf32>
        %parallel_loop3A_426 = vector.shape_cast %parallel_loop3A_421 : vector<16xf32> to vector<1x16xf32>
        tpu.vector_store %arg8[%parallel_loop3A_422, %parallel_loop3A_423], %parallel_loop3A_426 {add = true, strides = array<i32>} : memref<8x1024xf32, #tpu.memory_space<vmem>>, vector<1x16xf32>,
      } {sc.loop_unroll_factor = 8 : i64, sc.parallel_access}
      %dma_start3A_192 = arith.constant 0 : i32
      %dma_start3A_193 = tpu.memref_slice %arg4[%and3A_177, %add3A_182, %dma_start3A_192] : memref<4x8192x1024xf32, #tpu.memory_space<hbm>> -> memref<1x8x1024xf32, #tpu.memory_space<hbm>>
      %dma_start3A_194 = tpu.memref_squeeze %dma_start3A_193 : memref<1x8x1024xf32, #tpu.memory_space<hbm>> -> memref<8x1024xf32, #tpu.memory_space<hbm>>
      %dma_start3A_195 = arith.constant 0 : i32
      %dma_start3A_196 = tpu.memref_slice %arg4[%and3A_177, %add3A_182, %dma_start3A_195] : memref<4x8192x1024xf32, #tpu.memory_space<hbm>> -> memref<1x8x1024xf32, #tpu.memory_space<hbm>>
      %dma_start3A_197 = tpu.memref_squeeze %dma_start3A_196 : memref<1x8x1024xf32, #tpu.memory_space<hbm>> -> memref<8x1024xf32, #tpu.memory_space<hbm>>
      tpu.enqueue_dma source(%arg8 : memref<8x1024xf32, #tpu.memory_space<vmem>>) target(%dma_start3A_197 : memref<8x1024xf32, #tpu.memory_space<hbm>>) target_semaphore(%arg26 : memref<!tpu.dma_semaphore, #tpu.memory_space<semaphore_mem>>)
      %mul3A_198 = arith.constant 4 : i32
      %mul3A_199 = arith.muli %add3A_121, %mul3A_198 : i32
      %add3A_200 = arith.constant 2 : i32
      %add3A_201 = arith.addi %mul3A_199, %add3A_200 : i32
      %add3A_202 = arith.constant 4 : i32
      %add3A_203 = arith.addi %add3A_201, %add3A_202 : i32
      %lt3A_204 = arith.constant 128 : i32
      %lt3A_205 = arith.cmpi slt, %add3A_203, %lt3A_204 : i32
      %convert_element_type3A_206 = arith.extui %lt3A_205 : i1 to i32
      %cond3A_207 = arith.constant 0 : i32
      %cond3A_208 = arith.cmpi ne, %convert_element_type3A_206, %cond3A_207 : i32
      scf.if %cond3A_208 {
        %ge3A = arith.constant 4 : i32
        %ge3A_412 = arith.cmpi sge, %add3A_201, %ge3A : i32
        %convert_element_type3A_413 = arith.extui %ge3A_412 : i1 to i32
        %cond3A_414 = arith.constant 0 : i32
        %cond3A_415 = arith.cmpi ne, %convert_element_type3A_413, %cond3A_414 : i32
        scf.if %cond3A_415 {
          %add3A_431 = arith.constant 4 : i32
          %add3A_432 = arith.addi %add3A_201, %add3A_431 : i32
          %sub3A = arith.constant 8 : i32
          %sub3A_433 = arith.subi %add3A_432, %sub3A : i32
          %and3A_434 = arith.constant 3 : i32
          %and3A_435 = arith.andi %sub3A_433, %and3A_434 : i32
          %shift_right_arithmetic3A_436 = arith.constant 2 : i32
          %shift_right_arithmetic3A_437 = arith.shrsi %sub3A_433, %shift_right_arithmetic3A_436 : i32
          %mul3A_438 = arith.constant 8 : i32
          %mul3A_439 = arith.muli %shift_right_arithmetic3A_437, %mul3A_438 : i32
          %add3A_440 = arith.addi %mul3A_2, %mul3A_439 : i32
          %dma_wait3A_441 = arith.constant 0 : i32
          %dma_wait3A_442 = tpu.memref_slice %arg4[%and3A_435, %add3A_440, %dma_wait3A_441] : memref<4x8192x1024xf32, #tpu.memory_space<hbm>> -> memref<1x8x1024xf32, #tpu.memory_space<hbm>>
          %dma_wait3A_443 = tpu.memref_squeeze %dma_wait3A_442 : memref<1x8x1024xf32, #tpu.memory_space<hbm>> -> memref<8x1024xf32, #tpu.memory_space<hbm>>
          %dma_wait3A_444 = arith.constant 0 : i32
          %dma_wait3A_445 = tpu.memref_slice %arg4[%and3A_435, %add3A_440, %dma_wait3A_444] : memref<4x8192x1024xf32, #tpu.memory_space<hbm>> -> memref<1x8x1024xf32, #tpu.memory_space<hbm>>
          %dma_wait3A_446 = tpu.memref_squeeze %dma_wait3A_445 : memref<1x8x1024xf32, #tpu.memory_space<hbm>> -> memref<8x1024xf32, #tpu.memory_space<hbm>>
          tpu.wait_dma2 semaphore(%arg31 : memref<!tpu.dma_semaphore, #tpu.memory_space<semaphore_mem>>) src(%arg13 : memref<8x1024xf32, #tpu.memory_space<vmem>>) dst(%dma_wait3A_446 : memref<8x1024xf32, #tpu.memory_space<hbm>>)
        } else {
        }
        %add3A_416 = arith.constant 4 : i32
        %add3A_417 = arith.addi %add3A_201, %add3A_416 : i32
        %and3A_418 = arith.constant 3 : i32
        %and3A_419 = arith.andi %add3A_417, %and3A_418 : i32
        %shift_right_arithmetic3A_420 = arith.constant 2 : i32
        %shift_right_arithmetic3A_421 = arith.shrsi %add3A_417, %shift_right_arithmetic3A_420 : i32
        %mul3A_422 = arith.constant 8 : i32
        %mul3A_423 = arith.muli %shift_right_arithmetic3A_421, %mul3A_422 : i32
        %add3A_424 = arith.addi %mul3A_2, %mul3A_423 : i32
        %dma_start3A_425 = arith.constant 0 : i32
        %dma_start3A_426 = tpu.memref_slice %arg2[%and3A_419, %add3A_424, %dma_start3A_425] : memref<4x8192x1024xf32, #tpu.memory_space<hbm>> -> memref<1x8x1024xf32, #tpu.memory_space<hbm>>
        %dma_start3A_427 = tpu.memref_squeeze %dma_start3A_426 : memref<1x8x1024xf32, #tpu.memory_space<hbm>> -> memref<8x1024xf32, #tpu.memory_space<hbm>>
        %dma_start3A_428 = arith.constant 0 : i32
        %dma_start3A_429 = tpu.memref_slice %arg2[%and3A_419, %add3A_424, %dma_start3A_428] : memref<4x8192x1024xf32, #tpu.memory_space<hbm>> -> memref<1x8x1024xf32, #tpu.memory_space<hbm>>
        %dma_start3A_430 = tpu.memref_squeeze %dma_start3A_429 : memref<1x8x1024xf32, #tpu.memory_space<hbm>> -> memref<8x1024xf32, #tpu.memory_space<hbm>>
        tpu.enqueue_dma source(%dma_start3A_430 : memref<8x1024xf32, #tpu.memory_space<hbm>>) target(%arg13 : memref<8x1024xf32, #tpu.memory_space<vmem>>) target_semaphore(%arg23 : memref<!tpu.dma_semaphore, #tpu.memory_space<semaphore_mem>>)
      } else {
      }
      %and3A_209 = arith.constant 3 : i32
      %and3A_210 = arith.andi %add3A_201, %and3A_209 : i32
      %shift_right_arithmetic3A_211 = arith.constant 2 : i32
      %shift_right_arithmetic3A_212 = arith.shrsi %add3A_201, %shift_right_arithmetic3A_211 : i32
      %mul3A_213 = arith.constant 8 : i32
      %mul3A_214 = arith.muli %shift_right_arithmetic3A_212, %mul3A_213 : i32
      %add3A_215 = arith.addi %mul3A_2, %mul3A_214 : i32
      %dma_wait3A_216 = arith.constant 0 : i32
      %dma_wait3A_217 = tpu.memref_slice %arg2[%and3A_210, %add3A_215, %dma_wait3A_216] : memref<4x8192x1024xf32, #tpu.memory_space<hbm>> -> memref<1x8x1024xf32, #tpu.memory_space<hbm>>
      %dma_wait3A_218 = tpu.memref_squeeze %dma_wait3A_217 : memref<1x8x1024xf32, #tpu.memory_space<hbm>> -> memref<8x1024xf32, #tpu.memory_space<hbm>>
      %dma_wait3A_219 = arith.constant 0 : i32
      %dma_wait3A_220 = tpu.memref_slice %arg2[%and3A_210, %add3A_215, %dma_wait3A_219] : memref<4x8192x1024xf32, #tpu.memory_space<hbm>> -> memref<1x8x1024xf32, #tpu.memory_space<hbm>>
      %dma_wait3A_221 = tpu.memref_squeeze %dma_wait3A_220 : memref<1x8x1024xf32, #tpu.memory_space<hbm>> -> memref<8x1024xf32, #tpu.memory_space<hbm>>
      tpu.wait_dma2 semaphore(%arg19 : memref<!tpu.dma_semaphore, #tpu.memory_space<semaphore_mem>>) src(%dma_wait3A_221 : memref<8x1024xf32, #tpu.memory_space<hbm>>) dst(%arg9 : memref<8x1024xf32, #tpu.memory_space<vmem>>)
      %parallel_loop3A_222 = arith.constant 0 : i32
      %parallel_loop3A_223 = arith.constant 8192 : i32
      %parallel_loop3A_224 = arith.constant 16 : i32
      scf.for %parallel_loop3A_412 = %parallel_loop3A_222 to %parallel_loop3A_223 step %parallel_loop3A_224  : i32 {
        %parallel_loop3A_413 = arith.constant 10 : i32
        %parallel_loop3A_414 = arith.shrsi %parallel_loop3A_412, %parallel_loop3A_413 : i32
        %parallel_loop3A_415 = arith.constant 1023 : i32
        %parallel_loop3A_416 = arith.andi %parallel_loop3A_412, %parallel_loop3A_415 : i32
        %parallel_loop3A_417 = tpu.assume_multiple %parallel_loop3A_416, 16 : i32
        %parallel_loop3A_418 = arith.index_cast %parallel_loop3A_414 : i32 to index
        %parallel_loop3A_419 = arith.index_cast %parallel_loop3A_417 : i32 to index
        %parallel_loop3A_420 = tpu.vector_load %arg5[%parallel_loop3A_418, %parallel_loop3A_419] {strides = array<i32>} : memref<8x1024xf32, #tpu.memory_space<vmem>>, vector<1x16xf32>,
        %parallel_loop3A_421 = vector.shape_cast %parallel_loop3A_420 : vector<1x16xf32> to vector<16xf32>
        %parallel_loop3A_422 = arith.index_cast %parallel_loop3A_414 : i32 to index
        %parallel_loop3A_423 = arith.index_cast %parallel_loop3A_417 : i32 to index
        %parallel_loop3A_424 = tpu.vector_load %arg9[%parallel_loop3A_422, %parallel_loop3A_423] {strides = array<i32>} : memref<8x1024xf32, #tpu.memory_space<vmem>>, vector<1x16xf32>,
        %parallel_loop3A_425 = vector.shape_cast %parallel_loop3A_424 : vector<1x16xf32> to vector<16xf32>
        %parallel_loop3A_426 = vector.shape_cast %parallel_loop3A_421 : vector<16xf32> to vector<1x16xf32>
        tpu.vector_store %arg9[%parallel_loop3A_422, %parallel_loop3A_423], %parallel_loop3A_426 {add = true, strides = array<i32>} : memref<8x1024xf32, #tpu.memory_space<vmem>>, vector<1x16xf32>,
      } {sc.loop_unroll_factor = 8 : i64, sc.parallel_access}
      %dma_start3A_225 = arith.constant 0 : i32
      %dma_start3A_226 = tpu.memref_slice %arg4[%and3A_210, %add3A_215, %dma_start3A_225] : memref<4x8192x1024xf32, #tpu.memory_space<hbm>> -> memref<1x8x1024xf32, #tpu.memory_space<hbm>>
      %dma_start3A_227 = tpu.memref_squeeze %dma_start3A_226 : memref<1x8x1024xf32, #tpu.memory_space<hbm>> -> memref<8x1024xf32, #tpu.memory_space<hbm>>
      %dma_start3A_228 = arith.constant 0 : i32
      %dma_start3A_229 = tpu.memref_slice %arg4[%and3A_210, %add3A_215, %dma_start3A_228] : memref<4x8192x1024xf32, #tpu.memory_space<hbm>> -> memref<1x8x1024xf32, #tpu.memory_space<hbm>>
      %dma_start3A_230 = tpu.memref_squeeze %dma_start3A_229 : memref<1x8x1024xf32, #tpu.memory_space<hbm>> -> memref<8x1024xf32, #tpu.memory_space<hbm>>
      tpu.enqueue_dma source(%arg9 : memref<8x1024xf32, #tpu.memory_space<vmem>>) target(%dma_start3A_230 : memref<8x1024xf32, #tpu.memory_space<hbm>>) target_semaphore(%arg27 : memref<!tpu.dma_semaphore, #tpu.memory_space<semaphore_mem>>)
      %mul3A_231 = arith.constant 4 : i32
      %mul3A_232 = arith.muli %add3A_121, %mul3A_231 : i32
      %add3A_233 = arith.constant 3 : i32
      %add3A_234 = arith.addi %mul3A_232, %add3A_233 : i32
      %add3A_235 = arith.constant 4 : i32
      %add3A_236 = arith.addi %add3A_234, %add3A_235 : i32
      %lt3A_237 = arith.constant 128 : i32
      %lt3A_238 = arith.cmpi slt, %add3A_236, %lt3A_237 : i32
      %convert_element_type3A_239 = arith.extui %lt3A_238 : i1 to i32
      %cond3A_240 = arith.constant 0 : i32
      %cond3A_241 = arith.cmpi ne, %convert_element_type3A_239, %cond3A_240 : i32
      scf.if %cond3A_241 {
        %ge3A = arith.constant 4 : i32
        %ge3A_412 = arith.cmpi sge, %add3A_234, %ge3A : i32
        %convert_element_type3A_413 = arith.extui %ge3A_412 : i1 to i32
        %cond3A_414 = arith.constant 0 : i32
        %cond3A_415 = arith.cmpi ne, %convert_element_type3A_413, %cond3A_414 : i32
        scf.if %cond3A_415 {
          %add3A_431 = arith.constant 4 : i32
          %add3A_432 = arith.addi %add3A_234, %add3A_431 : i32
          %sub3A = arith.constant 8 : i32
          %sub3A_433 = arith.subi %add3A_432, %sub3A : i32
          %and3A_434 = arith.constant 3 : i32
          %and3A_435 = arith.andi %sub3A_433, %and3A_434 : i32
          %shift_right_arithmetic3A_436 = arith.constant 2 : i32
          %shift_right_arithmetic3A_437 = arith.shrsi %sub3A_433, %shift_right_arithmetic3A_436 : i32
          %mul3A_438 = arith.constant 8 : i32
          %mul3A_439 = arith.muli %shift_right_arithmetic3A_437, %mul3A_438 : i32
          %add3A_440 = arith.addi %mul3A_2, %mul3A_439 : i32
          %dma_wait3A_441 = arith.constant 0 : i32
          %dma_wait3A_442 = tpu.memref_slice %arg4[%and3A_435, %add3A_440, %dma_wait3A_441] : memref<4x8192x1024xf32, #tpu.memory_space<hbm>> -> memref<1x8x1024xf32, #tpu.memory_space<hbm>>
          %dma_wait3A_443 = tpu.memref_squeeze %dma_wait3A_442 : memref<1x8x1024xf32, #tpu.memory_space<hbm>> -> memref<8x1024xf32, #tpu.memory_space<hbm>>
          %dma_wait3A_444 = arith.constant 0 : i32
          %dma_wait3A_445 = tpu.memref_slice %arg4[%and3A_435, %add3A_440, %dma_wait3A_444] : memref<4x8192x1024xf32, #tpu.memory_space<hbm>> -> memref<1x8x1024xf32, #tpu.memory_space<hbm>>
          %dma_wait3A_446 = tpu.memref_squeeze %dma_wait3A_445 : memref<1x8x1024xf32, #tpu.memory_space<hbm>> -> memref<8x1024xf32, #tpu.memory_space<hbm>>
          tpu.wait_dma2 semaphore(%arg32 : memref<!tpu.dma_semaphore, #tpu.memory_space<semaphore_mem>>) src(%arg14 : memref<8x1024xf32, #tpu.memory_space<vmem>>) dst(%dma_wait3A_446 : memref<8x1024xf32, #tpu.memory_space<hbm>>)
        } else {
        }
        %add3A_416 = arith.constant 4 : i32
        %add3A_417 = arith.addi %add3A_234, %add3A_416 : i32
        %and3A_418 = arith.constant 3 : i32
        %and3A_419 = arith.andi %add3A_417, %and3A_418 : i32
        %shift_right_arithmetic3A_420 = arith.constant 2 : i32
        %shift_right_arithmetic3A_421 = arith.shrsi %add3A_417, %shift_right_arithmetic3A_420 : i32
        %mul3A_422 = arith.constant 8 : i32
        %mul3A_423 = arith.muli %shift_right_arithmetic3A_421, %mul3A_422 : i32
        %add3A_424 = arith.addi %mul3A_2, %mul3A_423 : i32
        %dma_start3A_425 = arith.constant 0 : i32
        %dma_start3A_426 = tpu.memref_slice %arg2[%and3A_419, %add3A_424, %dma_start3A_425] : memref<4x8192x1024xf32, #tpu.memory_space<hbm>> -> memref<1x8x1024xf32, #tpu.memory_space<hbm>>
        %dma_start3A_427 = tpu.memref_squeeze %dma_start3A_426 : memref<1x8x1024xf32, #tpu.memory_space<hbm>> -> memref<8x1024xf32, #tpu.memory_space<hbm>>
        %dma_start3A_428 = arith.constant 0 : i32
        %dma_start3A_429 = tpu.memref_slice %arg2[%and3A_419, %add3A_424, %dma_start3A_428] : memref<4x8192x1024xf32, #tpu.memory_space<hbm>> -> memref<1x8x1024xf32, #tpu.memory_space<hbm>>
        %dma_start3A_430 = tpu.memref_squeeze %dma_start3A_429 : memref<1x8x1024xf32, #tpu.memory_space<hbm>> -> memref<8x1024xf32, #tpu.memory_space<hbm>>
        tpu.enqueue_dma source(%dma_start3A_430 : memref<8x1024xf32, #tpu.memory_space<hbm>>) target(%arg14 : memref<8x1024xf32, #tpu.memory_space<vmem>>) target_semaphore(%arg24 : memref<!tpu.dma_semaphore, #tpu.memory_space<semaphore_mem>>)
      } else {
      }
      %and3A_242 = arith.constant 3 : i32
      %and3A_243 = arith.andi %add3A_234, %and3A_242 : i32
      %shift_right_arithmetic3A_244 = arith.constant 2 : i32
      %shift_right_arithmetic3A_245 = arith.shrsi %add3A_234, %shift_right_arithmetic3A_244 : i32
      %mul3A_246 = arith.constant 8 : i32
      %mul3A_247 = arith.muli %shift_right_arithmetic3A_245, %mul3A_246 : i32
      %add3A_248 = arith.addi %mul3A_2, %mul3A_247 : i32
      %dma_wait3A_249 = arith.constant 0 : i32
      %dma_wait3A_250 = tpu.memref_slice %arg2[%and3A_243, %add3A_248, %dma_wait3A_249] : memref<4x8192x1024xf32, #tpu.memory_space<hbm>> -> memref<1x8x1024xf32, #tpu.memory_space<hbm>>
      %dma_wait3A_251 = tpu.memref_squeeze %dma_wait3A_250 : memref<1x8x1024xf32, #tpu.memory_space<hbm>> -> memref<8x1024xf32, #tpu.memory_space<hbm>>
      %dma_wait3A_252 = arith.constant 0 : i32
      %dma_wait3A_253 = tpu.memref_slice %arg2[%and3A_243, %add3A_248, %dma_wait3A_252] : memref<4x8192x1024xf32, #tpu.memory_space<hbm>> -> memref<1x8x1024xf32, #tpu.memory_space<hbm>>
      %dma_wait3A_254 = tpu.memref_squeeze %dma_wait3A_253 : memref<1x8x1024xf32, #tpu.memory_space<hbm>> -> memref<8x1024xf32, #tpu.memory_space<hbm>>
      tpu.wait_dma2 semaphore(%arg20 : memref<!tpu.dma_semaphore, #tpu.memory_space<semaphore_mem>>) src(%dma_wait3A_254 : memref<8x1024xf32, #tpu.memory_space<hbm>>) dst(%arg10 : memref<8x1024xf32, #tpu.memory_space<vmem>>)
      %parallel_loop3A_255 = arith.constant 0 : i32
      %parallel_loop3A_256 = arith.constant 8192 : i32
      %parallel_loop3A_257 = arith.constant 16 : i32
      scf.for %parallel_loop3A_412 = %parallel_loop3A_255 to %parallel_loop3A_256 step %parallel_loop3A_257  : i32 {
        %parallel_loop3A_413 = arith.constant 10 : i32
        %parallel_loop3A_414 = arith.shrsi %parallel_loop3A_412, %parallel_loop3A_413 : i32
        %parallel_loop3A_415 = arith.constant 1023 : i32
        %parallel_loop3A_416 = arith.andi %parallel_loop3A_412, %parallel_loop3A_415 : i32
        %parallel_loop3A_417 = tpu.assume_multiple %parallel_loop3A_416, 16 : i32
        %parallel_loop3A_418 = arith.index_cast %parallel_loop3A_414 : i32 to index
        %parallel_loop3A_419 = arith.index_cast %parallel_loop3A_417 : i32 to index
        %parallel_loop3A_420 = tpu.vector_load %arg5[%parallel_loop3A_418, %parallel_loop3A_419] {strides = array<i32>} : memref<8x1024xf32, #tpu.memory_space<vmem>>, vector<1x16xf32>,
        %parallel_loop3A_421 = vector.shape_cast %parallel_loop3A_420 : vector<1x16xf32> to vector<16xf32>
        %parallel_loop3A_422 = arith.index_cast %parallel_loop3A_414 : i32 to index
        %parallel_loop3A_423 = arith.index_cast %parallel_loop3A_417 : i32 to index
        %parallel_loop3A_424 = tpu.vector_load %arg10[%parallel_loop3A_422, %parallel_loop3A_423] {strides = array<i32>} : memref<8x1024xf32, #tpu.memory_space<vmem>>, vector<1x16xf32>,
        %parallel_loop3A_425 = vector.shape_cast %parallel_loop3A_424 : vector<1x16xf32> to vector<16xf32>
        %parallel_loop3A_426 = vector.shape_cast %parallel_loop3A_421 : vector<16xf32> to vector<1x16xf32>
        tpu.vector_store %arg10[%parallel_loop3A_422, %parallel_loop3A_423], %parallel_loop3A_426 {add = true, strides = array<i32>} : memref<8x1024xf32, #tpu.memory_space<vmem>>, vector<1x16xf32>,
      } {sc.loop_unroll_factor = 8 : i64, sc.parallel_access}
      %dma_start3A_258 = arith.constant 0 : i32
      %dma_start3A_259 = tpu.memref_slice %arg4[%and3A_243, %add3A_248, %dma_start3A_258] : memref<4x8192x1024xf32, #tpu.memory_space<hbm>> -> memref<1x8x1024xf32, #tpu.memory_space<hbm>>
      %dma_start3A_260 = tpu.memref_squeeze %dma_start3A_259 : memref<1x8x1024xf32, #tpu.memory_space<hbm>> -> memref<8x1024xf32, #tpu.memory_space<hbm>>
      %dma_start3A_261 = arith.constant 0 : i32
      %dma_start3A_262 = tpu.memref_slice %arg4[%and3A_243, %add3A_248, %dma_start3A_261] : memref<4x8192x1024xf32, #tpu.memory_space<hbm>> -> memref<1x8x1024xf32, #tpu.memory_space<hbm>>
      %dma_start3A_263 = tpu.memref_squeeze %dma_start3A_262 : memref<1x8x1024xf32, #tpu.memory_space<hbm>> -> memref<8x1024xf32, #tpu.memory_space<hbm>>
      tpu.enqueue_dma source(%arg10 : memref<8x1024xf32, #tpu.memory_space<vmem>>) target(%dma_start3A_263 : memref<8x1024xf32, #tpu.memory_space<hbm>>) target_semaphore(%arg28 : memref<!tpu.dma_semaphore, #tpu.memory_space<semaphore_mem>>)
      %add3A_264 = arith.constant 1 : i32
      %add3A_265 = arith.addi %add3A_121, %add3A_264 : i32
      %mul3A_266 = arith.constant 8 : i32
      %mul3A_267 = arith.muli %add3A_265, %mul3A_266 : i32
      %add3A_268 = arith.addi %mul3A_2, %mul3A_267 : i32
      %dma_wait3A_269 = arith.constant 0 : i32
      %dma_wait3A_270 = tpu.memref_slice %arg3[%add3A_268, %dma_wait3A_269] : memref<8192x1024xf32, #tpu.memory_space<hbm>> -> memref<8x1024xf32, #tpu.memory_space<hbm>>
      %dma_wait3A_271 = arith.constant 0 : i32
      %dma_wait3A_272 = tpu.memref_slice %arg3[%add3A_268, %dma_wait3A_271] : memref<8192x1024xf32, #tpu.memory_space<hbm>> -> memref<8x1024xf32, #tpu.memory_space<hbm>>
      tpu.wait_dma2 semaphore(%arg16 : memref<!tpu.dma_semaphore, #tpu.memory_space<semaphore_mem>>) src(%dma_wait3A_272 : memref<8x1024xf32, #tpu.memory_space<hbm>>) dst(%arg6 : memref<8x1024xf32, #tpu.memory_space<vmem>>)
      %add3A_273 = arith.constant 1 : i32
      %add3A_274 = arith.addi %add3A_265, %add3A_273 : i32
      %lt3A_275 = arith.constant 32 : i32
      %lt3A_276 = arith.cmpi slt, %add3A_274, %lt3A_275 : i32
      %convert_element_type3A_277 = arith.extui %lt3A_276 : i1 to i32
      %cond3A_278 = arith.constant 0 : i32
      %cond3A_279 = arith.cmpi ne, %convert_element_type3A_277, %cond3A_278 : i32
      scf.if %cond3A_279 {
        %add3A_412 = arith.constant 1 : i32
        %add3A_413 = arith.addi %add3A_265, %add3A_412 : i32
        %mul3A_414 = arith.constant 8 : i32
        %mul3A_415 = arith.muli %add3A_413, %mul3A_414 : i32
        %add3A_416 = arith.addi %mul3A_2, %mul3A_415 : i32
        %dma_start3A_417 = arith.constant 0 : i32
        %dma_start3A_418 = tpu.memref_slice %arg3[%add3A_416, %dma_start3A_417] : memref<8192x1024xf32, #tpu.memory_space<hbm>> -> memref<8x1024xf32, #tpu.memory_space<hbm>>
        %dma_start3A_419 = arith.constant 0 : i32
        %dma_start3A_420 = tpu.memref_slice %arg3[%add3A_416, %dma_start3A_419] : memref<8192x1024xf32, #tpu.memory_space<hbm>> -> memref<8x1024xf32, #tpu.memory_space<hbm>>
        tpu.enqueue_dma source(%dma_start3A_420 : memref<8x1024xf32, #tpu.memory_space<hbm>>) target(%arg5 : memref<8x1024xf32, #tpu.memory_space<vmem>>) target_semaphore(%arg15 : memref<!tpu.dma_semaphore, #tpu.memory_space<semaphore_mem>>)
      } else {
      }
      %mul3A_280 = arith.constant 4 : i32
      %mul3A_281 = arith.muli %add3A_121, %mul3A_280 : i32
      %add3A_282 = arith.constant 4 : i32
      %add3A_283 = arith.addi %mul3A_281, %add3A_282 : i32
      %add3A_284 = arith.constant 4 : i32
      %add3A_285 = arith.addi %add3A_283, %add3A_284 : i32
      %lt3A_286 = arith.constant 128 : i32
      %lt3A_287 = arith.cmpi slt, %add3A_285, %lt3A_286 : i32
      %convert_element_type3A_288 = arith.extui %lt3A_287 : i1 to i32
      %cond3A_289 = arith.constant 0 : i32
      %cond3A_290 = arith.cmpi ne, %convert_element_type3A_288, %cond3A_289 : i32
      scf.if %cond3A_290 {
        %ge3A = arith.constant 4 : i32
        %ge3A_412 = arith.cmpi sge, %add3A_283, %ge3A : i32
        %convert_element_type3A_413 = arith.extui %ge3A_412 : i1 to i32
        %cond3A_414 = arith.constant 0 : i32
        %cond3A_415 = arith.cmpi ne, %convert_element_type3A_413, %cond3A_414 : i32
        scf.if %cond3A_415 {
          %add3A_431 = arith.constant 4 : i32
          %add3A_432 = arith.addi %add3A_283, %add3A_431 : i32
          %sub3A = arith.constant 8 : i32
          %sub3A_433 = arith.subi %add3A_432, %sub3A : i32
          %and3A_434 = arith.constant 3 : i32
          %and3A_435 = arith.andi %sub3A_433, %and3A_434 : i32
          %shift_right_arithmetic3A_436 = arith.constant 2 : i32
          %shift_right_arithmetic3A_437 = arith.shrsi %sub3A_433, %shift_right_arithmetic3A_436 : i32
          %mul3A_438 = arith.constant 8 : i32
          %mul3A_439 = arith.muli %shift_right_arithmetic3A_437, %mul3A_438 : i32
          %add3A_440 = arith.addi %mul3A_2, %mul3A_439 : i32
          %dma_wait3A_441 = arith.constant 0 : i32
          %dma_wait3A_442 = tpu.memref_slice %arg4[%and3A_435, %add3A_440, %dma_wait3A_441] : memref<4x8192x1024xf32, #tpu.memory_space<hbm>> -> memref<1x8x1024xf32, #tpu.memory_space<hbm>>
          %dma_wait3A_443 = tpu.memref_squeeze %dma_wait3A_442 : memref<1x8x1024xf32, #tpu.memory_space<hbm>> -> memref<8x1024xf32, #tpu.memory_space<hbm>>
          %dma_wait3A_444 = arith.constant 0 : i32
          %dma_wait3A_445 = tpu.memref_slice %arg4[%and3A_435, %add3A_440, %dma_wait3A_444] : memref<4x8192x1024xf32, #tpu.memory_space<hbm>> -> memref<1x8x1024xf32, #tpu.memory_space<hbm>>
          %dma_wait3A_446 = tpu.memref_squeeze %dma_wait3A_445 : memref<1x8x1024xf32, #tpu.memory_space<hbm>> -> memref<8x1024xf32, #tpu.memory_space<hbm>>
          tpu.wait_dma2 semaphore(%arg25 : memref<!tpu.dma_semaphore, #tpu.memory_space<semaphore_mem>>) src(%arg7 : memref<8x1024xf32, #tpu.memory_space<vmem>>) dst(%dma_wait3A_446 : memref<8x1024xf32, #tpu.memory_space<hbm>>)
        } else {
        }
        %add3A_416 = arith.constant 4 : i32
        %add3A_417 = arith.addi %add3A_283, %add3A_416 : i32
        %and3A_418 = arith.constant 3 : i32
        %and3A_419 = arith.andi %add3A_417, %and3A_418 : i32
        %shift_right_arithmetic3A_420 = arith.constant 2 : i32
        %shift_right_arithmetic3A_421 = arith.shrsi %add3A_417, %shift_right_arithmetic3A_420 : i32
        %mul3A_422 = arith.constant 8 : i32
        %mul3A_423 = arith.muli %shift_right_arithmetic3A_421, %mul3A_422 : i32
        %add3A_424 = arith.addi %mul3A_2, %mul3A_423 : i32
        %dma_start3A_425 = arith.constant 0 : i32
        %dma_start3A_426 = tpu.memref_slice %arg2[%and3A_419, %add3A_424, %dma_start3A_425] : memref<4x8192x1024xf32, #tpu.memory_space<hbm>> -> memref<1x8x1024xf32, #tpu.memory_space<hbm>>
        %dma_start3A_427 = tpu.memref_squeeze %dma_start3A_426 : memref<1x8x1024xf32, #tpu.memory_space<hbm>> -> memref<8x1024xf32, #tpu.memory_space<hbm>>
        %dma_start3A_428 = arith.constant 0 : i32
        %dma_start3A_429 = tpu.memref_slice %arg2[%and3A_419, %add3A_424, %dma_start3A_428] : memref<4x8192x1024xf32, #tpu.memory_space<hbm>> -> memref<1x8x1024xf32, #tpu.memory_space<hbm>>
        %dma_start3A_430 = tpu.memref_squeeze %dma_start3A_429 : memref<1x8x1024xf32, #tpu.memory_space<hbm>> -> memref<8x1024xf32, #tpu.memory_space<hbm>>
        tpu.enqueue_dma source(%dma_start3A_430 : memref<8x1024xf32, #tpu.memory_space<hbm>>) target(%arg7 : memref<8x1024xf32, #tpu.memory_space<vmem>>) target_semaphore(%arg17 : memref<!tpu.dma_semaphore, #tpu.memory_space<semaphore_mem>>)
      } else {
      }
      %and3A_291 = arith.constant 3 : i32
      %and3A_292 = arith.andi %add3A_283, %and3A_291 : i32
      %shift_right_arithmetic3A_293 = arith.constant 2 : i32
      %shift_right_arithmetic3A_294 = arith.shrsi %add3A_283, %shift_right_arithmetic3A_293 : i32
      %mul3A_295 = arith.constant 8 : i32
      %mul3A_296 = arith.muli %shift_right_arithmetic3A_294, %mul3A_295 : i32
      %add3A_297 = arith.addi %mul3A_2, %mul3A_296 : i32
      %dma_wait3A_298 = arith.constant 0 : i32
      %dma_wait3A_299 = tpu.memref_slice %arg2[%and3A_292, %add3A_297, %dma_wait3A_298] : memref<4x8192x1024xf32, #tpu.memory_space<hbm>> -> memref<1x8x1024xf32, #tpu.memory_space<hbm>>
      %dma_wait3A_300 = tpu.memref_squeeze %dma_wait3A_299 : memref<1x8x1024xf32, #tpu.memory_space<hbm>> -> memref<8x1024xf32, #tpu.memory_space<hbm>>
      %dma_wait3A_301 = arith.constant 0 : i32
      %dma_wait3A_302 = tpu.memref_slice %arg2[%and3A_292, %add3A_297, %dma_wait3A_301] : memref<4x8192x1024xf32, #tpu.memory_space<hbm>> -> memref<1x8x1024xf32, #tpu.memory_space<hbm>>
      %dma_wait3A_303 = tpu.memref_squeeze %dma_wait3A_302 : memref<1x8x1024xf32, #tpu.memory_space<hbm>> -> memref<8x1024xf32, #tpu.memory_space<hbm>>
      tpu.wait_dma2 semaphore(%arg21 : memref<!tpu.dma_semaphore, #tpu.memory_space<semaphore_mem>>) src(%dma_wait3A_303 : memref<8x1024xf32, #tpu.memory_space<hbm>>) dst(%arg11 : memref<8x1024xf32, #tpu.memory_space<vmem>>)
      %parallel_loop3A_304 = arith.constant 0 : i32
      %parallel_loop3A_305 = arith.constant 8192 : i32
      %parallel_loop3A_306 = arith.constant 16 : i32
      scf.for %parallel_loop3A_412 = %parallel_loop3A_304 to %parallel_loop3A_305 step %parallel_loop3A_306  : i32 {
        %parallel_loop3A_413 = arith.constant 10 : i32
        %parallel_loop3A_414 = arith.shrsi %parallel_loop3A_412, %parallel_loop3A_413 : i32
        %parallel_loop3A_415 = arith.constant 1023 : i32
        %parallel_loop3A_416 = arith.andi %parallel_loop3A_412, %parallel_loop3A_415 : i32
        %parallel_loop3A_417 = tpu.assume_multiple %parallel_loop3A_416, 16 : i32
        %parallel_loop3A_418 = arith.index_cast %parallel_loop3A_414 : i32 to index
        %parallel_loop3A_419 = arith.index_cast %parallel_loop3A_417 : i32 to index
        %parallel_loop3A_420 = tpu.vector_load %arg6[%parallel_loop3A_418, %parallel_loop3A_419] {strides = array<i32>} : memref<8x1024xf32, #tpu.memory_space<vmem>>, vector<1x16xf32>,
        %parallel_loop3A_421 = vector.shape_cast %parallel_loop3A_420 : vector<1x16xf32> to vector<16xf32>
        %parallel_loop3A_422 = arith.index_cast %parallel_loop3A_414 : i32 to index
        %parallel_loop3A_423 = arith.index_cast %parallel_loop3A_417 : i32 to index
        %parallel_loop3A_424 = tpu.vector_load %arg11[%parallel_loop3A_422, %parallel_loop3A_423] {strides = array<i32>} : memref<8x1024xf32, #tpu.memory_space<vmem>>, vector<1x16xf32>,
        %parallel_loop3A_425 = vector.shape_cast %parallel_loop3A_424 : vector<1x16xf32> to vector<16xf32>
        %parallel_loop3A_426 = vector.shape_cast %parallel_loop3A_421 : vector<16xf32> to vector<1x16xf32>
        tpu.vector_store %arg11[%parallel_loop3A_422, %parallel_loop3A_423], %parallel_loop3A_426 {add = true, strides = array<i32>} : memref<8x1024xf32, #tpu.memory_space<vmem>>, vector<1x16xf32>,
      } {sc.loop_unroll_factor = 8 : i64, sc.parallel_access}
      %dma_start3A_307 = arith.constant 0 : i32
      %dma_start3A_308 = tpu.memref_slice %arg4[%and3A_292, %add3A_297, %dma_start3A_307] : memref<4x8192x1024xf32, #tpu.memory_space<hbm>> -> memref<1x8x1024xf32, #tpu.memory_space<hbm>>
      %dma_start3A_309 = tpu.memref_squeeze %dma_start3A_308 : memref<1x8x1024xf32, #tpu.memory_space<hbm>> -> memref<8x1024xf32, #tpu.memory_space<hbm>>
      %dma_start3A_310 = arith.constant 0 : i32
      %dma_start3A_311 = tpu.memref_slice %arg4[%and3A_292, %add3A_297, %dma_start3A_310] : memref<4x8192x1024xf32, #tpu.memory_space<hbm>> -> memref<1x8x1024xf32, #tpu.memory_space<hbm>>
      %dma_start3A_312 = tpu.memref_squeeze %dma_start3A_311 : memref<1x8x1024xf32, #tpu.memory_space<hbm>> -> memref<8x1024xf32, #tpu.memory_space<hbm>>
      tpu.enqueue_dma source(%arg11 : memref<8x1024xf32, #tpu.memory_space<vmem>>) target(%dma_start3A_312 : memref<8x1024xf32, #tpu.memory_space<hbm>>) target_semaphore(%arg29 : memref<!tpu.dma_semaphore, #tpu.memory_space<semaphore_mem>>)
      %mul3A_313 = arith.constant 4 : i32
      %mul3A_314 = arith.muli %add3A_121, %mul3A_313 : i32
      %add3A_315 = arith.constant 5 : i32
      %add3A_316 = arith.addi %mul3A_314, %add3A_315 : i32
      %add3A_317 = arith.constant 4 : i32
      %add3A_318 = arith.addi %add3A_316, %add3A_317 : i32
      %lt3A_319 = arith.constant 128 : i32
      %lt3A_320 = arith.cmpi slt, %add3A_318, %lt3A_319 : i32
      %convert_element_type3A_321 = arith.extui %lt3A_320 : i1 to i32
      %cond3A_322 = arith.constant 0 : i32
      %cond3A_323 = arith.cmpi ne, %convert_element_type3A_321, %cond3A_322 : i32
      scf.if %cond3A_323 {
        %ge3A = arith.constant 4 : i32
        %ge3A_412 = arith.cmpi sge, %add3A_316, %ge3A : i32
        %convert_element_type3A_413 = arith.extui %ge3A_412 : i1 to i32
        %cond3A_414 = arith.constant 0 : i32
        %cond3A_415 = arith.cmpi ne, %convert_element_type3A_413, %cond3A_414 : i32
        scf.if %cond3A_415 {
          %add3A_431 = arith.constant 4 : i32
          %add3A_432 = arith.addi %add3A_316, %add3A_431 : i32
          %sub3A = arith.constant 8 : i32
          %sub3A_433 = arith.subi %add3A_432, %sub3A : i32
          %and3A_434 = arith.constant 3 : i32
          %and3A_435 = arith.andi %sub3A_433, %and3A_434 : i32
          %shift_right_arithmetic3A_436 = arith.constant 2 : i32
          %shift_right_arithmetic3A_437 = arith.shrsi %sub3A_433, %shift_right_arithmetic3A_436 : i32
          %mul3A_438 = arith.constant 8 : i32
          %mul3A_439 = arith.muli %shift_right_arithmetic3A_437, %mul3A_438 : i32
          %add3A_440 = arith.addi %mul3A_2, %mul3A_439 : i32
          %dma_wait3A_441 = arith.constant 0 : i32
          %dma_wait3A_442 = tpu.memref_slice %arg4[%and3A_435, %add3A_440, %dma_wait3A_441] : memref<4x8192x1024xf32, #tpu.memory_space<hbm>> -> memref<1x8x1024xf32, #tpu.memory_space<hbm>>
          %dma_wait3A_443 = tpu.memref_squeeze %dma_wait3A_442 : memref<1x8x1024xf32, #tpu.memory_space<hbm>> -> memref<8x1024xf32, #tpu.memory_space<hbm>>
          %dma_wait3A_444 = arith.constant 0 : i32
          %dma_wait3A_445 = tpu.memref_slice %arg4[%and3A_435, %add3A_440, %dma_wait3A_444] : memref<4x8192x1024xf32, #tpu.memory_space<hbm>> -> memref<1x8x1024xf32, #tpu.memory_space<hbm>>
          %dma_wait3A_446 = tpu.memref_squeeze %dma_wait3A_445 : memref<1x8x1024xf32, #tpu.memory_space<hbm>> -> memref<8x1024xf32, #tpu.memory_space<hbm>>
          tpu.wait_dma2 semaphore(%arg26 : memref<!tpu.dma_semaphore, #tpu.memory_space<semaphore_mem>>) src(%arg8 : memref<8x1024xf32, #tpu.memory_space<vmem>>) dst(%dma_wait3A_446 : memref<8x1024xf32, #tpu.memory_space<hbm>>)
        } else {
        }
        %add3A_416 = arith.constant 4 : i32
        %add3A_417 = arith.addi %add3A_316, %add3A_416 : i32
        %and3A_418 = arith.constant 3 : i32
        %and3A_419 = arith.andi %add3A_417, %and3A_418 : i32
        %shift_right_arithmetic3A_420 = arith.constant 2 : i32
        %shift_right_arithmetic3A_421 = arith.shrsi %add3A_417, %shift_right_arithmetic3A_420 : i32
        %mul3A_422 = arith.constant 8 : i32
        %mul3A_423 = arith.muli %shift_right_arithmetic3A_421, %mul3A_422 : i32
        %add3A_424 = arith.addi %mul3A_2, %mul3A_423 : i32
        %dma_start3A_425 = arith.constant 0 : i32
        %dma_start3A_426 = tpu.memref_slice %arg2[%and3A_419, %add3A_424, %dma_start3A_425] : memref<4x8192x1024xf32, #tpu.memory_space<hbm>> -> memref<1x8x1024xf32, #tpu.memory_space<hbm>>
        %dma_start3A_427 = tpu.memref_squeeze %dma_start3A_426 : memref<1x8x1024xf32, #tpu.memory_space<hbm>> -> memref<8x1024xf32, #tpu.memory_space<hbm>>
        %dma_start3A_428 = arith.constant 0 : i32
        %dma_start3A_429 = tpu.memref_slice %arg2[%and3A_419, %add3A_424, %dma_start3A_428] : memref<4x8192x1024xf32, #tpu.memory_space<hbm>> -> memref<1x8x1024xf32, #tpu.memory_space<hbm>>
        %dma_start3A_430 = tpu.memref_squeeze %dma_start3A_429 : memref<1x8x1024xf32, #tpu.memory_space<hbm>> -> memref<8x1024xf32, #tpu.memory_space<hbm>>
        tpu.enqueue_dma source(%dma_start3A_430 : memref<8x1024xf32, #tpu.memory_space<hbm>>) target(%arg8 : memref<8x1024xf32, #tpu.memory_space<vmem>>) target_semaphore(%arg18 : memref<!tpu.dma_semaphore, #tpu.memory_space<semaphore_mem>>)
      } else {
      }
      %and3A_324 = arith.constant 3 : i32
      %and3A_325 = arith.andi %add3A_316, %and3A_324 : i32
      %shift_right_arithmetic3A_326 = arith.constant 2 : i32
      %shift_right_arithmetic3A_327 = arith.shrsi %add3A_316, %shift_right_arithmetic3A_326 : i32
      %mul3A_328 = arith.constant 8 : i32
      %mul3A_329 = arith.muli %shift_right_arithmetic3A_327, %mul3A_328 : i32
      %add3A_330 = arith.addi %mul3A_2, %mul3A_329 : i32
      %dma_wait3A_331 = arith.constant 0 : i32
      %dma_wait3A_332 = tpu.memref_slice %arg2[%and3A_325, %add3A_330, %dma_wait3A_331] : memref<4x8192x1024xf32, #tpu.memory_space<hbm>> -> memref<1x8x1024xf32, #tpu.memory_space<hbm>>
      %dma_wait3A_333 = tpu.memref_squeeze %dma_wait3A_332 : memref<1x8x1024xf32, #tpu.memory_space<hbm>> -> memref<8x1024xf32, #tpu.memory_space<hbm>>
      %dma_wait3A_334 = arith.constant 0 : i32
      %dma_wait3A_335 = tpu.memref_slice %arg2[%and3A_325, %add3A_330, %dma_wait3A_334] : memref<4x8192x1024xf32, #tpu.memory_space<hbm>> -> memref<1x8x1024xf32, #tpu.memory_space<hbm>>
      %dma_wait3A_336 = tpu.memref_squeeze %dma_wait3A_335 : memref<1x8x1024xf32, #tpu.memory_space<hbm>> -> memref<8x1024xf32, #tpu.memory_space<hbm>>
      tpu.wait_dma2 semaphore(%arg22 : memref<!tpu.dma_semaphore, #tpu.memory_space<semaphore_mem>>) src(%dma_wait3A_336 : memref<8x1024xf32, #tpu.memory_space<hbm>>) dst(%arg12 : memref<8x1024xf32, #tpu.memory_space<vmem>>)
      %parallel_loop3A_337 = arith.constant 0 : i32
      %parallel_loop3A_338 = arith.constant 8192 : i32
      %parallel_loop3A_339 = arith.constant 16 : i32
      scf.for %parallel_loop3A_412 = %parallel_loop3A_337 to %parallel_loop3A_338 step %parallel_loop3A_339  : i32 {
        %parallel_loop3A_413 = arith.constant 10 : i32
        %parallel_loop3A_414 = arith.shrsi %parallel_loop3A_412, %parallel_loop3A_413 : i32
        %parallel_loop3A_415 = arith.constant 1023 : i32
        %parallel_loop3A_416 = arith.andi %parallel_loop3A_412, %parallel_loop3A_415 : i32
        %parallel_loop3A_417 = tpu.assume_multiple %parallel_loop3A_416, 16 : i32
        %parallel_loop3A_418 = arith.index_cast %parallel_loop3A_414 : i32 to index
        %parallel_loop3A_419 = arith.index_cast %parallel_loop3A_417 : i32 to index
        %parallel_loop3A_420 = tpu.vector_load %arg6[%parallel_loop3A_418, %parallel_loop3A_419] {strides = array<i32>} : memref<8x1024xf32, #tpu.memory_space<vmem>>, vector<1x16xf32>,
        %parallel_loop3A_421 = vector.shape_cast %parallel_loop3A_420 : vector<1x16xf32> to vector<16xf32>
        %parallel_loop3A_422 = arith.index_cast %parallel_loop3A_414 : i32 to index
        %parallel_loop3A_423 = arith.index_cast %parallel_loop3A_417 : i32 to index
        %parallel_loop3A_424 = tpu.vector_load %arg12[%parallel_loop3A_422, %parallel_loop3A_423] {strides = array<i32>} : memref<8x1024xf32, #tpu.memory_space<vmem>>, vector<1x16xf32>,
        %parallel_loop3A_425 = vector.shape_cast %parallel_loop3A_424 : vector<1x16xf32> to vector<16xf32>
        %parallel_loop3A_426 = vector.shape_cast %parallel_loop3A_421 : vector<16xf32> to vector<1x16xf32>
        tpu.vector_store %arg12[%parallel_loop3A_422, %parallel_loop3A_423], %parallel_loop3A_426 {add = true, strides = array<i32>} : memref<8x1024xf32, #tpu.memory_space<vmem>>, vector<1x16xf32>,
      } {sc.loop_unroll_factor = 8 : i64, sc.parallel_access}
      %dma_start3A_340 = arith.constant 0 : i32
      %dma_start3A_341 = tpu.memref_slice %arg4[%and3A_325, %add3A_330, %dma_start3A_340] : memref<4x8192x1024xf32, #tpu.memory_space<hbm>> -> memref<1x8x1024xf32, #tpu.memory_space<hbm>>
      %dma_start3A_342 = tpu.memref_squeeze %dma_start3A_341 : memref<1x8x1024xf32, #tpu.memory_space<hbm>> -> memref<8x1024xf32, #tpu.memory_space<hbm>>
      %dma_start3A_343 = arith.constant 0 : i32
      %dma_start3A_344 = tpu.memref_slice %arg4[%and3A_325, %add3A_330, %dma_start3A_343] : memref<4x8192x1024xf32, #tpu.memory_space<hbm>> -> memref<1x8x1024xf32, #tpu.memory_space<hbm>>
      %dma_start3A_345 = tpu.memref_squeeze %dma_start3A_344 : memref<1x8x1024xf32, #tpu.memory_space<hbm>> -> memref<8x1024xf32, #tpu.memory_space<hbm>>
      tpu.enqueue_dma source(%arg12 : memref<8x1024xf32, #tpu.memory_space<vmem>>) target(%dma_start3A_345 : memref<8x1024xf32, #tpu.memory_space<hbm>>) target_semaphore(%arg30 : memref<!tpu.dma_semaphore, #tpu.memory_space<semaphore_mem>>)
      %mul3A_346 = arith.constant 4 : i32
      %mul3A_347 = arith.muli %add3A_121, %mul3A_346 : i32
      %add3A_348 = arith.constant 6 : i32
      %add3A_349 = arith.addi %mul3A_347, %add3A_348 : i32
      %add3A_350 = arith.constant 4 : i32
      %add3A_351 = arith.addi %add3A_349, %add3A_350 : i32
      %lt3A_352 = arith.constant 128 : i32
      %lt3A_353 = arith.cmpi slt, %add3A_351, %lt3A_352 : i32
      %convert_element_type3A_354 = arith.extui %lt3A_353 : i1 to i32
      %cond3A_355 = arith.constant 0 : i32
      %cond3A_356 = arith.cmpi ne, %convert_element_type3A_354, %cond3A_355 : i32
      scf.if %cond3A_356 {
        %ge3A = arith.constant 4 : i32
        %ge3A_412 = arith.cmpi sge, %add3A_349, %ge3A : i32
        %convert_element_type3A_413 = arith.extui %ge3A_412 : i1 to i32
        %cond3A_414 = arith.constant 0 : i32
        %cond3A_415 = arith.cmpi ne, %convert_element_type3A_413, %cond3A_414 : i32
        scf.if %cond3A_415 {
          %add3A_431 = arith.constant 4 : i32
          %add3A_432 = arith.addi %add3A_349, %add3A_431 : i32
          %sub3A = arith.constant 8 : i32
          %sub3A_433 = arith.subi %add3A_432, %sub3A : i32
          %and3A_434 = arith.constant 3 : i32
          %and3A_435 = arith.andi %sub3A_433, %and3A_434 : i32
          %shift_right_arithmetic3A_436 = arith.constant 2 : i32
          %shift_right_arithmetic3A_437 = arith.shrsi %sub3A_433, %shift_right_arithmetic3A_436 : i32
          %mul3A_438 = arith.constant 8 : i32
          %mul3A_439 = arith.muli %shift_right_arithmetic3A_437, %mul3A_438 : i32
          %add3A_440 = arith.addi %mul3A_2, %mul3A_439 : i32
          %dma_wait3A_441 = arith.constant 0 : i32
          %dma_wait3A_442 = tpu.memref_slice %arg4[%and3A_435, %add3A_440, %dma_wait3A_441] : memref<4x8192x1024xf32, #tpu.memory_space<hbm>> -> memref<1x8x1024xf32, #tpu.memory_space<hbm>>
          %dma_wait3A_443 = tpu.memref_squeeze %dma_wait3A_442 : memref<1x8x1024xf32, #tpu.memory_space<hbm>> -> memref<8x1024xf32, #tpu.memory_space<hbm>>
          %dma_wait3A_444 = arith.constant 0 : i32
          %dma_wait3A_445 = tpu.memref_slice %arg4[%and3A_435, %add3A_440, %dma_wait3A_444] : memref<4x8192x1024xf32, #tpu.memory_space<hbm>> -> memref<1x8x1024xf32, #tpu.memory_space<hbm>>
          %dma_wait3A_446 = tpu.memref_squeeze %dma_wait3A_445 : memref<1x8x1024xf32, #tpu.memory_space<hbm>> -> memref<8x1024xf32, #tpu.memory_space<hbm>>
          tpu.wait_dma2 semaphore(%arg27 : memref<!tpu.dma_semaphore, #tpu.memory_space<semaphore_mem>>) src(%arg9 : memref<8x1024xf32, #tpu.memory_space<vmem>>) dst(%dma_wait3A_446 : memref<8x1024xf32, #tpu.memory_space<hbm>>)
        } else {
        }
        %add3A_416 = arith.constant 4 : i32
        %add3A_417 = arith.addi %add3A_349, %add3A_416 : i32
        %and3A_418 = arith.constant 3 : i32
        %and3A_419 = arith.andi %add3A_417, %and3A_418 : i32
        %shift_right_arithmetic3A_420 = arith.constant 2 : i32
        %shift_right_arithmetic3A_421 = arith.shrsi %add3A_417, %shift_right_arithmetic3A_420 : i32
        %mul3A_422 = arith.constant 8 : i32
        %mul3A_423 = arith.muli %shift_right_arithmetic3A_421, %mul3A_422 : i32
        %add3A_424 = arith.addi %mul3A_2, %mul3A_423 : i32
        %dma_start3A_425 = arith.constant 0 : i32
        %dma_start3A_426 = tpu.memref_slice %arg2[%and3A_419, %add3A_424, %dma_start3A_425] : memref<4x8192x1024xf32, #tpu.memory_space<hbm>> -> memref<1x8x1024xf32, #tpu.memory_space<hbm>>
        %dma_start3A_427 = tpu.memref_squeeze %dma_start3A_426 : memref<1x8x1024xf32, #tpu.memory_space<hbm>> -> memref<8x1024xf32, #tpu.memory_space<hbm>>
        %dma_start3A_428 = arith.constant 0 : i32
        %dma_start3A_429 = tpu.memref_slice %arg2[%and3A_419, %add3A_424, %dma_start3A_428] : memref<4x8192x1024xf32, #tpu.memory_space<hbm>> -> memref<1x8x1024xf32, #tpu.memory_space<hbm>>
        %dma_start3A_430 = tpu.memref_squeeze %dma_start3A_429 : memref<1x8x1024xf32, #tpu.memory_space<hbm>> -> memref<8x1024xf32, #tpu.memory_space<hbm>>
        tpu.enqueue_dma source(%dma_start3A_430 : memref<8x1024xf32, #tpu.memory_space<hbm>>) target(%arg9 : memref<8x1024xf32, #tpu.memory_space<vmem>>) target_semaphore(%arg19 : memref<!tpu.dma_semaphore, #tpu.memory_space<semaphore_mem>>)
      } else {
      }
      %and3A_357 = arith.constant 3 : i32
      %and3A_358 = arith.andi %add3A_349, %and3A_357 : i32
      %shift_right_arithmetic3A_359 = arith.constant 2 : i32
      %shift_right_arithmetic3A_360 = arith.shrsi %add3A_349, %shift_right_arithmetic3A_359 : i32
      %mul3A_361 = arith.constant 8 : i32
      %mul3A_362 = arith.muli %shift_right_arithmetic3A_360, %mul3A_361 : i32
      %add3A_363 = arith.addi %mul3A_2, %mul3A_362 : i32
      %dma_wait3A_364 = arith.constant 0 : i32
      %dma_wait3A_365 = tpu.memref_slice %arg2[%and3A_358, %add3A_363, %dma_wait3A_364] : memref<4x8192x1024xf32, #tpu.memory_space<hbm>> -> memref<1x8x1024xf32, #tpu.memory_space<hbm>>
      %dma_wait3A_366 = tpu.memref_squeeze %dma_wait3A_365 : memref<1x8x1024xf32, #tpu.memory_space<hbm>> -> memref<8x1024xf32, #tpu.memory_space<hbm>>
      %dma_wait3A_367 = arith.constant 0 : i32
      %dma_wait3A_368 = tpu.memref_slice %arg2[%and3A_358, %add3A_363, %dma_wait3A_367] : memref<4x8192x1024xf32, #tpu.memory_space<hbm>> -> memref<1x8x1024xf32, #tpu.memory_space<hbm>>
      %dma_wait3A_369 = tpu.memref_squeeze %dma_wait3A_368 : memref<1x8x1024xf32, #tpu.memory_space<hbm>> -> memref<8x1024xf32, #tpu.memory_space<hbm>>
      tpu.wait_dma2 semaphore(%arg23 : memref<!tpu.dma_semaphore, #tpu.memory_space<semaphore_mem>>) src(%dma_wait3A_369 : memref<8x1024xf32, #tpu.memory_space<hbm>>) dst(%arg13 : memref<8x1024xf32, #tpu.memory_space<vmem>>)
      %parallel_loop3A_370 = arith.constant 0 : i32
      %parallel_loop3A_371 = arith.constant 8192 : i32
      %parallel_loop3A_372 = arith.constant 16 : i32
      scf.for %parallel_loop3A_412 = %parallel_loop3A_370 to %parallel_loop3A_371 step %parallel_loop3A_372  : i32 {
        %parallel_loop3A_413 = arith.constant 10 : i32
        %parallel_loop3A_414 = arith.shrsi %parallel_loop3A_412, %parallel_loop3A_413 : i32
        %parallel_loop3A_415 = arith.constant 1023 : i32
        %parallel_loop3A_416 = arith.andi %parallel_loop3A_412, %parallel_loop3A_415 : i32
        %parallel_loop3A_417 = tpu.assume_multiple %parallel_loop3A_416, 16 : i32
        %parallel_loop3A_418 = arith.index_cast %parallel_loop3A_414 : i32 to index
        %parallel_loop3A_419 = arith.index_cast %parallel_loop3A_417 : i32 to index
        %parallel_loop3A_420 = tpu.vector_load %arg6[%parallel_loop3A_418, %parallel_loop3A_419] {strides = array<i32>} : memref<8x1024xf32, #tpu.memory_space<vmem>>, vector<1x16xf32>,
        %parallel_loop3A_421 = vector.shape_cast %parallel_loop3A_420 : vector<1x16xf32> to vector<16xf32>
        %parallel_loop3A_422 = arith.index_cast %parallel_loop3A_414 : i32 to index
        %parallel_loop3A_423 = arith.index_cast %parallel_loop3A_417 : i32 to index
        %parallel_loop3A_424 = tpu.vector_load %arg13[%parallel_loop3A_422, %parallel_loop3A_423] {strides = array<i32>} : memref<8x1024xf32, #tpu.memory_space<vmem>>, vector<1x16xf32>,
        %parallel_loop3A_425 = vector.shape_cast %parallel_loop3A_424 : vector<1x16xf32> to vector<16xf32>
        %parallel_loop3A_426 = vector.shape_cast %parallel_loop3A_421 : vector<16xf32> to vector<1x16xf32>
        tpu.vector_store %arg13[%parallel_loop3A_422, %parallel_loop3A_423], %parallel_loop3A_426 {add = true, strides = array<i32>} : memref<8x1024xf32, #tpu.memory_space<vmem>>, vector<1x16xf32>,
      } {sc.loop_unroll_factor = 8 : i64, sc.parallel_access}
      %dma_start3A_373 = arith.constant 0 : i32
      %dma_start3A_374 = tpu.memref_slice %arg4[%and3A_358, %add3A_363, %dma_start3A_373] : memref<4x8192x1024xf32, #tpu.memory_space<hbm>> -> memref<1x8x1024xf32, #tpu.memory_space<hbm>>
      %dma_start3A_375 = tpu.memref_squeeze %dma_start3A_374 : memref<1x8x1024xf32, #tpu.memory_space<hbm>> -> memref<8x1024xf32, #tpu.memory_space<hbm>>
      %dma_start3A_376 = arith.constant 0 : i32
      %dma_start3A_377 = tpu.memref_slice %arg4[%and3A_358, %add3A_363, %dma_start3A_376] : memref<4x8192x1024xf32, #tpu.memory_space<hbm>> -> memref<1x8x1024xf32, #tpu.memory_space<hbm>>
      %dma_start3A_378 = tpu.memref_squeeze %dma_start3A_377 : memref<1x8x1024xf32, #tpu.memory_space<hbm>> -> memref<8x1024xf32, #tpu.memory_space<hbm>>
      tpu.enqueue_dma source(%arg13 : memref<8x1024xf32, #tpu.memory_space<vmem>>) target(%dma_start3A_378 : memref<8x1024xf32, #tpu.memory_space<hbm>>) target_semaphore(%arg31 : memref<!tpu.dma_semaphore, #tpu.memory_space<semaphore_mem>>)
      %mul3A_379 = arith.constant 4 : i32
      %mul3A_380 = arith.muli %add3A_121, %mul3A_379 : i32
      %add3A_381 = arith.constant 7 : i32
      %add3A_382 = arith.addi %mul3A_380, %add3A_381 : i32
      %add3A_383 = arith.constant 4 : i32
      %add3A_384 = arith.addi %add3A_382, %add3A_383 : i32
      %lt3A_385 = arith.constant 128 : i32
      %lt3A_386 = arith.cmpi slt, %add3A_384, %lt3A_385 : i32
      %convert_element_type3A_387 = arith.extui %lt3A_386 : i1 to i32
      %cond3A_388 = arith.constant 0 : i32
      %cond3A_389 = arith.cmpi ne, %convert_element_type3A_387, %cond3A_388 : i32
      scf.if %cond3A_389 {
        %ge3A = arith.constant 4 : i32
        %ge3A_412 = arith.cmpi sge, %add3A_382, %ge3A : i32
        %convert_element_type3A_413 = arith.extui %ge3A_412 : i1 to i32
        %cond3A_414 = arith.constant 0 : i32
        %cond3A_415 = arith.cmpi ne, %convert_element_type3A_413, %cond3A_414 : i32
        scf.if %cond3A_415 {
          %add3A_431 = arith.constant 4 : i32
          %add3A_432 = arith.addi %add3A_382, %add3A_431 : i32
          %sub3A = arith.constant 8 : i32
          %sub3A_433 = arith.subi %add3A_432, %sub3A : i32
          %and3A_434 = arith.constant 3 : i32
          %and3A_435 = arith.andi %sub3A_433, %and3A_434 : i32
          %shift_right_arithmetic3A_436 = arith.constant 2 : i32
          %shift_right_arithmetic3A_437 = arith.shrsi %sub3A_433, %shift_right_arithmetic3A_436 : i32
          %mul3A_438 = arith.constant 8 : i32
          %mul3A_439 = arith.muli %shift_right_arithmetic3A_437, %mul3A_438 : i32
          %add3A_440 = arith.addi %mul3A_2, %mul3A_439 : i32
          %dma_wait3A_441 = arith.constant 0 : i32
          %dma_wait3A_442 = tpu.memref_slice %arg4[%and3A_435, %add3A_440, %dma_wait3A_441] : memref<4x8192x1024xf32, #tpu.memory_space<hbm>> -> memref<1x8x1024xf32, #tpu.memory_space<hbm>>
          %dma_wait3A_443 = tpu.memref_squeeze %dma_wait3A_442 : memref<1x8x1024xf32, #tpu.memory_space<hbm>> -> memref<8x1024xf32, #tpu.memory_space<hbm>>
          %dma_wait3A_444 = arith.constant 0 : i32
          %dma_wait3A_445 = tpu.memref_slice %arg4[%and3A_435, %add3A_440, %dma_wait3A_444] : memref<4x8192x1024xf32, #tpu.memory_space<hbm>> -> memref<1x8x1024xf32, #tpu.memory_space<hbm>>
          %dma_wait3A_446 = tpu.memref_squeeze %dma_wait3A_445 : memref<1x8x1024xf32, #tpu.memory_space<hbm>> -> memref<8x1024xf32, #tpu.memory_space<hbm>>
          tpu.wait_dma2 semaphore(%arg28 : memref<!tpu.dma_semaphore, #tpu.memory_space<semaphore_mem>>) src(%arg10 : memref<8x1024xf32, #tpu.memory_space<vmem>>) dst(%dma_wait3A_446 : memref<8x1024xf32, #tpu.memory_space<hbm>>)
        } else {
        }
        %add3A_416 = arith.constant 4 : i32
        %add3A_417 = arith.addi %add3A_382, %add3A_416 : i32
        %and3A_418 = arith.constant 3 : i32
        %and3A_419 = arith.andi %add3A_417, %and3A_418 : i32
        %shift_right_arithmetic3A_420 = arith.constant 2 : i32
        %shift_right_arithmetic3A_421 = arith.shrsi %add3A_417, %shift_right_arithmetic3A_420 : i32
        %mul3A_422 = arith.constant 8 : i32
        %mul3A_423 = arith.muli %shift_right_arithmetic3A_421, %mul3A_422 : i32
        %add3A_424 = arith.addi %mul3A_2, %mul3A_423 : i32
        %dma_start3A_425 = arith.constant 0 : i32
        %dma_start3A_426 = tpu.memref_slice %arg2[%and3A_419, %add3A_424, %dma_start3A_425] : memref<4x8192x1024xf32, #tpu.memory_space<hbm>> -> memref<1x8x1024xf32, #tpu.memory_space<hbm>>
        %dma_start3A_427 = tpu.memref_squeeze %dma_start3A_426 : memref<1x8x1024xf32, #tpu.memory_space<hbm>> -> memref<8x1024xf32, #tpu.memory_space<hbm>>
        %dma_start3A_428 = arith.constant 0 : i32
        %dma_start3A_429 = tpu.memref_slice %arg2[%and3A_419, %add3A_424, %dma_start3A_428] : memref<4x8192x1024xf32, #tpu.memory_space<hbm>> -> memref<1x8x1024xf32, #tpu.memory_space<hbm>>
        %dma_start3A_430 = tpu.memref_squeeze %dma_start3A_429 : memref<1x8x1024xf32, #tpu.memory_space<hbm>> -> memref<8x1024xf32, #tpu.memory_space<hbm>>
        tpu.enqueue_dma source(%dma_start3A_430 : memref<8x1024xf32, #tpu.memory_space<hbm>>) target(%arg10 : memref<8x1024xf32, #tpu.memory_space<vmem>>) target_semaphore(%arg20 : memref<!tpu.dma_semaphore, #tpu.memory_space<semaphore_mem>>)
      } else {
      }
      %and3A_390 = arith.constant 3 : i32
      %and3A_391 = arith.andi %add3A_382, %and3A_390 : i32
      %shift_right_arithmetic3A_392 = arith.constant 2 : i32
      %shift_right_arithmetic3A_393 = arith.shrsi %add3A_382, %shift_right_arithmetic3A_392 : i32
      %mul3A_394 = arith.constant 8 : i32
      %mul3A_395 = arith.muli %shift_right_arithmetic3A_393, %mul3A_394 : i32
      %add3A_396 = arith.addi %mul3A_2, %mul3A_395 : i32
      %dma_wait3A_397 = arith.constant 0 : i32
      %dma_wait3A_398 = tpu.memref_slice %arg2[%and3A_391, %add3A_396, %dma_wait3A_397] : memref<4x8192x1024xf32, #tpu.memory_space<hbm>> -> memref<1x8x1024xf32, #tpu.memory_space<hbm>>
      %dma_wait3A_399 = tpu.memref_squeeze %dma_wait3A_398 : memref<1x8x1024xf32, #tpu.memory_space<hbm>> -> memref<8x1024xf32, #tpu.memory_space<hbm>>
      %dma_wait3A_400 = arith.constant 0 : i32
      %dma_wait3A_401 = tpu.memref_slice %arg2[%and3A_391, %add3A_396, %dma_wait3A_400] : memref<4x8192x1024xf32, #tpu.memory_space<hbm>> -> memref<1x8x1024xf32, #tpu.memory_space<hbm>>
      %dma_wait3A_402 = tpu.memref_squeeze %dma_wait3A_401 : memref<1x8x1024xf32, #tpu.memory_space<hbm>> -> memref<8x1024xf32, #tpu.memory_space<hbm>>
      tpu.wait_dma2 semaphore(%arg24 : memref<!tpu.dma_semaphore, #tpu.memory_space<semaphore_mem>>) src(%dma_wait3A_402 : memref<8x1024xf32, #tpu.memory_space<hbm>>) dst(%arg14 : memref<8x1024xf32, #tpu.memory_space<vmem>>)
      %parallel_loop3A_403 = arith.constant 0 : i32
      %parallel_loop3A_404 = arith.constant 8192 : i32
      %parallel_loop3A_405 = arith.constant 16 : i32
      scf.for %parallel_loop3A_412 = %parallel_loop3A_403 to %parallel_loop3A_404 step %parallel_loop3A_405  : i32 {
        %parallel_loop3A_413 = arith.constant 10 : i32
        %parallel_loop3A_414 = arith.shrsi %parallel_loop3A_412, %parallel_loop3A_413 : i32
        %parallel_loop3A_415 = arith.constant 1023 : i32
        %parallel_loop3A_416 = arith.andi %parallel_loop3A_412, %parallel_loop3A_415 : i32
        %parallel_loop3A_417 = tpu.assume_multiple %parallel_loop3A_416, 16 : i32
        %parallel_loop3A_418 = arith.index_cast %parallel_loop3A_414 : i32 to index
        %parallel_loop3A_419 = arith.index_cast %parallel_loop3A_417 : i32 to index
        %parallel_loop3A_420 = tpu.vector_load %arg6[%parallel_loop3A_418, %parallel_loop3A_419] {strides = array<i32>} : memref<8x1024xf32, #tpu.memory_space<vmem>>, vector<1x16xf32>,
        %parallel_loop3A_421 = vector.shape_cast %parallel_loop3A_420 : vector<1x16xf32> to vector<16xf32>
        %parallel_loop3A_422 = arith.index_cast %parallel_loop3A_414 : i32 to index
        %parallel_loop3A_423 = arith.index_cast %parallel_loop3A_417 : i32 to index
        %parallel_loop3A_424 = tpu.vector_load %arg14[%parallel_loop3A_422, %parallel_loop3A_423] {strides = array<i32>} : memref<8x1024xf32, #tpu.memory_space<vmem>>, vector<1x16xf32>,
        %parallel_loop3A_425 = vector.shape_cast %parallel_loop3A_424 : vector<1x16xf32> to vector<16xf32>
        %parallel_loop3A_426 = vector.shape_cast %parallel_loop3A_421 : vector<16xf32> to vector<1x16xf32>
        tpu.vector_store %arg14[%parallel_loop3A_422, %parallel_loop3A_423], %parallel_loop3A_426 {add = true, strides = array<i32>} : memref<8x1024xf32, #tpu.memory_space<vmem>>, vector<1x16xf32>,
      } {sc.loop_unroll_factor = 8 : i64, sc.parallel_access}
      %dma_start3A_406 = arith.constant 0 : i32
      %dma_start3A_407 = tpu.memref_slice %arg4[%and3A_391, %add3A_396, %dma_start3A_406] : memref<4x8192x1024xf32, #tpu.memory_space<hbm>> -> memref<1x8x1024xf32, #tpu.memory_space<hbm>>
      %dma_start3A_408 = tpu.memref_squeeze %dma_start3A_407 : memref<1x8x1024xf32, #tpu.memory_space<hbm>> -> memref<8x1024xf32, #tpu.memory_space<hbm>>
      %dma_start3A_409 = arith.constant 0 : i32
      %dma_start3A_410 = tpu.memref_slice %arg4[%and3A_391, %add3A_396, %dma_start3A_409] : memref<4x8192x1024xf32, #tpu.memory_space<hbm>> -> memref<1x8x1024xf32, #tpu.memory_space<hbm>>
      %dma_start3A_411 = tpu.memref_squeeze %dma_start3A_410 : memref<1x8x1024xf32, #tpu.memory_space<hbm>> -> memref<8x1024xf32, #tpu.memory_space<hbm>>
      tpu.enqueue_dma source(%arg14 : memref<8x1024xf32, #tpu.memory_space<vmem>>) target(%dma_start3A_411 : memref<8x1024xf32, #tpu.memory_space<hbm>>) target_semaphore(%arg32 : memref<!tpu.dma_semaphore, #tpu.memory_space<semaphore_mem>>)
    }
    %scan3A_45 = arith.constant 16 : i32
    %add3A_46 = arith.constant 240 : i32
    %add3A_47 = arith.addi %mul3A_2, %add3A_46 : i32
    %dma_wait3A = arith.constant 0 : i32
    %dma_wait3A_48 = arith.constant 0 : i32
    %dma_wait3A_49 = tpu.memref_slice %arg4[%dma_wait3A, %add3A_47, %dma_wait3A_48] : memref<4x8192x1024xf32, #tpu.memory_space<hbm>> -> memref<1x8x1024xf32, #tpu.memory_space<hbm>>
    %dma_wait3A_50 = tpu.memref_squeeze %dma_wait3A_49 : memref<1x8x1024xf32, #tpu.memory_space<hbm>> -> memref<8x1024xf32, #tpu.memory_space<hbm>>
    %dma_wait3A_51 = arith.constant 0 : i32
    %dma_wait3A_52 = tpu.memref_slice %arg4[%dma_wait3A, %add3A_47, %dma_wait3A_51] : memref<4x8192x1024xf32, #tpu.memory_space<hbm>> -> memref<1x8x1024xf32, #tpu.memory_space<hbm>>
    %dma_wait3A_53 = tpu.memref_squeeze %dma_wait3A_52 : memref<1x8x1024xf32, #tpu.memory_space<hbm>> -> memref<8x1024xf32, #tpu.memory_space<hbm>>
    tpu.wait_dma2 semaphore(%arg25 : memref<!tpu.dma_semaphore, #tpu.memory_space<semaphore_mem>>) src(%arg7 : memref<8x1024xf32, #tpu.memory_space<vmem>>) dst(%dma_wait3A_53 : memref<8x1024xf32, #tpu.memory_space<hbm>>)
    %add3A_54 = arith.constant 240 : i32
    %add3A_55 = arith.addi %mul3A_2, %add3A_54 : i32
    %dma_wait3A_56 = arith.constant 1 : i32
    %dma_wait3A_57 = arith.constant 0 : i32
    %dma_wait3A_58 = tpu.memref_slice %arg4[%dma_wait3A_56, %add3A_55, %dma_wait3A_57] : memref<4x8192x1024xf32, #tpu.memory_space<hbm>> -> memref<1x8x1024xf32, #tpu.memory_space<hbm>>
    %dma_wait3A_59 = tpu.memref_squeeze %dma_wait3A_58 : memref<1x8x1024xf32, #tpu.memory_space<hbm>> -> memref<8x1024xf32, #tpu.memory_space<hbm>>
    %dma_wait3A_60 = arith.constant 0 : i32
    %dma_wait3A_61 = tpu.memref_slice %arg4[%dma_wait3A_56, %add3A_55, %dma_wait3A_60] : memref<4x8192x1024xf32, #tpu.memory_space<hbm>> -> memref<1x8x1024xf32, #tpu.memory_space<hbm>>
    %dma_wait3A_62 = tpu.memref_squeeze %dma_wait3A_61 : memref<1x8x1024xf32, #tpu.memory_space<hbm>> -> memref<8x1024xf32, #tpu.memory_space<hbm>>
    tpu.wait_dma2 semaphore(%arg26 : memref<!tpu.dma_semaphore, #tpu.memory_space<semaphore_mem>>) src(%arg8 : memref<8x1024xf32, #tpu.memory_space<vmem>>) dst(%dma_wait3A_62 : memref<8x1024xf32, #tpu.memory_space<hbm>>)
    %add3A_63 = arith.constant 240 : i32
    %add3A_64 = arith.addi %mul3A_2, %add3A_63 : i32
    %dma_wait3A_65 = arith.constant 2 : i32
    %dma_wait3A_66 = arith.constant 0 : i32
    %dma_wait3A_67 = tpu.memref_slice %arg4[%dma_wait3A_65, %add3A_64, %dma_wait3A_66] : memref<4x8192x1024xf32, #tpu.memory_space<hbm>> -> memref<1x8x1024xf32, #tpu.memory_space<hbm>>
    %dma_wait3A_68 = tpu.memref_squeeze %dma_wait3A_67 : memref<1x8x1024xf32, #tpu.memory_space<hbm>> -> memref<8x1024xf32, #tpu.memory_space<hbm>>
    %dma_wait3A_69 = arith.constant 0 : i32
    %dma_wait3A_70 = tpu.memref_slice %arg4[%dma_wait3A_65, %add3A_64, %dma_wait3A_69] : memref<4x8192x1024xf32, #tpu.memory_space<hbm>> -> memref<1x8x1024xf32, #tpu.memory_space<hbm>>
    %dma_wait3A_71 = tpu.memref_squeeze %dma_wait3A_70 : memref<1x8x1024xf32, #tpu.memory_space<hbm>> -> memref<8x1024xf32, #tpu.memory_space<hbm>>
    tpu.wait_dma2 semaphore(%arg27 : memref<!tpu.dma_semaphore, #tpu.memory_space<semaphore_mem>>) src(%arg9 : memref<8x1024xf32, #tpu.memory_space<vmem>>) dst(%dma_wait3A_71 : memref<8x1024xf32, #tpu.memory_space<hbm>>)
    %add3A_72 = arith.constant 240 : i32
    %add3A_73 = arith.addi %mul3A_2, %add3A_72 : i32
    %dma_wait3A_74 = arith.constant 3 : i32
    %dma_wait3A_75 = arith.constant 0 : i32
    %dma_wait3A_76 = tpu.memref_slice %arg4[%dma_wait3A_74, %add3A_73, %dma_wait3A_75] : memref<4x8192x1024xf32, #tpu.memory_space<hbm>> -> memref<1x8x1024xf32, #tpu.memory_space<hbm>>
    %dma_wait3A_77 = tpu.memref_squeeze %dma_wait3A_76 : memref<1x8x1024xf32, #tpu.memory_space<hbm>> -> memref<8x1024xf32, #tpu.memory_space<hbm>>
    %dma_wait3A_78 = arith.constant 0 : i32
    %dma_wait3A_79 = tpu.memref_slice %arg4[%dma_wait3A_74, %add3A_73, %dma_wait3A_78] : memref<4x8192x1024xf32, #tpu.memory_space<hbm>> -> memref<1x8x1024xf32, #tpu.memory_space<hbm>>
    %dma_wait3A_80 = tpu.memref_squeeze %dma_wait3A_79 : memref<1x8x1024xf32, #tpu.memory_space<hbm>> -> memref<8x1024xf32, #tpu.memory_space<hbm>>
    tpu.wait_dma2 semaphore(%arg28 : memref<!tpu.dma_semaphore, #tpu.memory_space<semaphore_mem>>) src(%arg10 : memref<8x1024xf32, #tpu.memory_space<vmem>>) dst(%dma_wait3A_80 : memref<8x1024xf32, #tpu.memory_space<hbm>>)
    %add3A_81 = arith.constant 248 : i32
    %add3A_82 = arith.addi %mul3A_2, %add3A_81 : i32
    %dma_wait3A_83 = arith.constant 0 : i32
    %dma_wait3A_84 = arith.constant 0 : i32
    %dma_wait3A_85 = tpu.memref_slice %arg4[%dma_wait3A_83, %add3A_82, %dma_wait3A_84] : memref<4x8192x1024xf32, #tpu.memory_space<hbm>> -> memref<1x8x1024xf32, #tpu.memory_space<hbm>>
    %dma_wait3A_86 = tpu.memref_squeeze %dma_wait3A_85 : memref<1x8x1024xf32, #tpu.memory_space<hbm>> -> memref<8x1024xf32, #tpu.memory_space<hbm>>
    %dma_wait3A_87 = arith.constant 0 : i32
    %dma_wait3A_88 = tpu.memref_slice %arg4[%dma_wait3A_83, %add3A_82, %dma_wait3A_87] : memref<4x8192x1024xf32, #tpu.memory_space<hbm>> -> memref<1x8x1024xf32, #tpu.memory_space<hbm>>
    %dma_wait3A_89 = tpu.memref_squeeze %dma_wait3A_88 : memref<1x8x1024xf32, #tpu.memory_space<hbm>> -> memref<8x1024xf32, #tpu.memory_space<hbm>>
    tpu.wait_dma2 semaphore(%arg29 : memref<!tpu.dma_semaphore, #tpu.memory_space<semaphore_mem>>) src(%arg11 : memref<8x1024xf32, #tpu.memory_space<vmem>>) dst(%dma_wait3A_89 : memref<8x1024xf32, #tpu.memory_space<hbm>>)
    %add3A_90 = arith.constant 248 : i32
    %add3A_91 = arith.addi %mul3A_2, %add3A_90 : i32
    %dma_wait3A_92 = arith.constant 1 : i32
    %dma_wait3A_93 = arith.constant 0 : i32
    %dma_wait3A_94 = tpu.memref_slice %arg4[%dma_wait3A_92, %add3A_91, %dma_wait3A_93] : memref<4x8192x1024xf32, #tpu.memory_space<hbm>> -> memref<1x8x1024xf32, #tpu.memory_space<hbm>>
    %dma_wait3A_95 = tpu.memref_squeeze %dma_wait3A_94 : memref<1x8x1024xf32, #tpu.memory_space<hbm>> -> memref<8x1024xf32, #tpu.memory_space<hbm>>
    %dma_wait3A_96 = arith.constant 0 : i32
    %dma_wait3A_97 = tpu.memref_slice %arg4[%dma_wait3A_92, %add3A_91, %dma_wait3A_96] : memref<4x8192x1024xf32, #tpu.memory_space<hbm>> -> memref<1x8x1024xf32, #tpu.memory_space<hbm>>
    %dma_wait3A_98 = tpu.memref_squeeze %dma_wait3A_97 : memref<1x8x1024xf32, #tpu.memory_space<hbm>> -> memref<8x1024xf32, #tpu.memory_space<hbm>>
    tpu.wait_dma2 semaphore(%arg30 : memref<!tpu.dma_semaphore, #tpu.memory_space<semaphore_mem>>) src(%arg12 : memref<8x1024xf32, #tpu.memory_space<vmem>>) dst(%dma_wait3A_98 : memref<8x1024xf32, #tpu.memory_space<hbm>>)
    %add3A_99 = arith.constant 248 : i32
    %add3A_100 = arith.addi %mul3A_2, %add3A_99 : i32
    %dma_wait3A_101 = arith.constant 2 : i32
    %dma_wait3A_102 = arith.constant 0 : i32
    %dma_wait3A_103 = tpu.memref_slice %arg4[%dma_wait3A_101, %add3A_100, %dma_wait3A_102] : memref<4x8192x1024xf32, #tpu.memory_space<hbm>> -> memref<1x8x1024xf32, #tpu.memory_space<hbm>>
    %dma_wait3A_104 = tpu.memref_squeeze %dma_wait3A_103 : memref<1x8x1024xf32, #tpu.memory_space<hbm>> -> memref<8x1024xf32, #tpu.memory_space<hbm>>
    %dma_wait3A_105 = arith.constant 0 : i32
    %dma_wait3A_106 = tpu.memref_slice %arg4[%dma_wait3A_101, %add3A_100, %dma_wait3A_105] : memref<4x8192x1024xf32, #tpu.memory_space<hbm>> -> memref<1x8x1024xf32, #tpu.memory_space<hbm>>
    %dma_wait3A_107 = tpu.memref_squeeze %dma_wait3A_106 : memref<1x8x1024xf32, #tpu.memory_space<hbm>> -> memref<8x1024xf32, #tpu.memory_space<hbm>>
    tpu.wait_dma2 semaphore(%arg31 : memref<!tpu.dma_semaphore, #tpu.memory_space<semaphore_mem>>) src(%arg13 : memref<8x1024xf32, #tpu.memory_space<vmem>>) dst(%dma_wait3A_107 : memref<8x1024xf32, #tpu.memory_space<hbm>>)
    %add3A_108 = arith.constant 248 : i32
    %add3A_109 = arith.addi %mul3A_2, %add3A_108 : i32
    %dma_wait3A_110 = arith.constant 3 : i32
    %dma_wait3A_111 = arith.constant 0 : i32
    %dma_wait3A_112 = tpu.memref_slice %arg4[%dma_wait3A_110, %add3A_109, %dma_wait3A_111] : memref<4x8192x1024xf32, #tpu.memory_space<hbm>> -> memref<1x8x1024xf32, #tpu.memory_space<hbm>>
    %dma_wait3A_113 = tpu.memref_squeeze %dma_wait3A_112 : memref<1x8x1024xf32, #tpu.memory_space<hbm>> -> memref<8x1024xf32, #tpu.memory_space<hbm>>
    %dma_wait3A_114 = arith.constant 0 : i32
    %dma_wait3A_115 = tpu.memref_slice %arg4[%dma_wait3A_110, %add3A_109, %dma_wait3A_114] : memref<4x8192x1024xf32, #tpu.memory_space<hbm>> -> memref<1x8x1024xf32, #tpu.memory_space<hbm>>
    %dma_wait3A_116 = tpu.memref_squeeze %dma_wait3A_115 : memref<1x8x1024xf32, #tpu.memory_space<hbm>> -> memref<8x1024xf32, #tpu.memory_space<hbm>>
    tpu.wait_dma2 semaphore(%arg32 : memref<!tpu.dma_semaphore, #tpu.memory_space<semaphore_mem>>) src(%arg14 : memref<8x1024xf32, #tpu.memory_space<vmem>>) dst(%dma_wait3A_116 : memref<8x1024xf32, #tpu.memory_space<hbm>>)
    return
  }
}

</mosaic_0001>

<sc_bundles>
// kernel: kernel.3.cloned.1.call-start
scs
__scs_entry_jumppad:
0x0: {  	(pc) =	sbr.rel $0x88, $3  }
0x1: {  	(tag) =	ssettag $0x0;
	lr =	simm.s32 $0x1  }
0x2: {  	[smem:$0x3F9F] =	sst lr;
	_ =	strace $0xD0000000  }
0x3: {  	_ = 	snop  }
0x4: {  	_ = 	snop  }
0x5: {  	_ = 	snop  }
0x6: {  	_ = 	snop  }
0x7: {  	_ = 	snop  }
__scs_overlays_trampoline_lowered:
0x8: {  	[smem:$0x3FAE] =	sst s0  }
0x9: {  	[smem:$0x3FAF] =	sst s1  }
0xa: {  	[smem:$0x3FB0] =	sst s2  }
0xb: {  	[smem:$0x3FB1] =	sst s3  }
0xc: {  	[smem:$0x3FB2] =	sst s4  }
0xd: {  	[smem:$0x3FB3] =	sst s5  }
0xe: {  	[smem:$0x3FB4] =	sst s6  }
0xf: {  	[smem:$0x3FB5] =	sst s7  }
0x10: {  	[smem:$0x3FB6] =	sst s8  }
0x11: {  	[smem:$0x3FB7] =	sst s9;
	s0 =	simm.s32 @!p0 $0x0  }
0x12: {  	s1 =	sld [smem:$0x3F9D];
	s0 =	simm.s32 @p0 $0x1  }
0x13: {  	[smem:$0x3FB8] =	sst s0;
	s0 =	simm.s32 @!p1 $0x0  }
0x14: {  	s2 =	sld [smem:$0x3F9C];
	s0 =	simm.s32 @p1 $0x1  }
0x15: {  	[smem:$0x3FB9] =	sst s0;
	s0 =	simm.s32 @!p2 $0x0  }
0x16: {  	s3 =	sld [smem:$0x3FDB];
	s0 =	simm.s32 @p2 $0x1  }
0x17: {  	s4 =	simm.s32 $0x1BF5;
	[smem:$0x3FBB] =	sst s0  }
0x18: {  	s0 =	sld [smem:$0x3F9E];
	_ =	swait.ge [sflag:s4], $0x0  }
0x19: {  	s7 =	sld [smem:$0x3F9F]  }
0x1a: {  	s8 =	sadd.s32 $0xFFFFE003, lr  }
0x1b: {  	s9 =	sadd.s32 $0xFFFFFEF7, lr;
	s5 =	simm.s32 $0xFFFFFFFF;
	p2 =	slt.u32 s8, $0xFFFFF086  }
0x1c: {  	p1 =	slt.u32 s9, $0xF7A;
	s5 =	simm.s32 @!p2 $0x0  }
0x1d: {  	s5 =	simm.s32 @p1 $0x1;
	p0 =	seq.s32 s7, s2  }
0x1e: {  	s7 =	smul.u32 @!p0 $0xF7A, s2;
	p2 =	seq.s32 @!p0 s5, $0x0  }
0x1f: {  	s9 =	smul.u32 $0xF7A, s1;
	s8 =	simm.s32 @!p0 $0x1BF5;
	p2 =	por !p2, p0  }
0x20: {  	[sflag:s8] =	ssyncset.s32 @!p0 $0xFFFFF086;
	s6 =	sadd.s32 @!p0 s3, s7;
	s7 =	simm.s32 @!p0 $0x108  }
0x21: {  	s3 =	sadd.s32 s3, s9;
	s6 =	sadd.s32 @!p0 $0x88, s6;
	s7 =	simm.s32 @p2 $0x1082  }
0x22: {  	[simem:s7], [sflag:s8] =	dma.local @!p0 [hbm:s6], $0xF7A  }
0x23: {  	s9 =	sor.u32 $0xD0000000, s2;
	s6 =	simm.s32 $0x108;
	_ =	swait.ge @!p0 [sflag:s8], $0x0  }
0x24: {  	s3 =	sadd.s32 $0x88, s3;
	s6 =	simm.s32 @!p1 $0x1082;
	[sflag:s4] =	ssyncset.s32 $0xFFFFF086  }
0x25: {  	[simem:s6], [sflag:s4] =	dma.local [hbm:s3], $0xF7A  }
0x26: {  	[smem:$0x3F9F] =	sst s1;
	(tag) =	ssettag s2;
	_ =	strace s9  }
0x27: {  	s1 =	sld [smem:$0x3FAF]  }
0x28: {  	s2 =	sld [smem:$0x3FB0]  }
0x29: {  	s4 =	sld [smem:$0x3FB2]  }
0x2a: {  	p0 =	seq.s32 s5, $0x0;
	s5 =	sld [smem:$0x3FB3]  }
0x2b: {  	s6 =	sld [smem:$0x3FB4]  }
0x2c: {  	s7 =	sld [smem:$0x3FB5]  }
0x2d: {  	s3 =	simm.s32 $0x108;
	s8 =	sld [smem:$0x3FB6]  }
0x2e: {  	s3 =	simm.s32 @!p0 $0x1082;
	s9 =	sld [smem:$0x3FB7]  }
0x2f: {  	lr =	sadd.s32 s0, s3;
	s0 =	sld [smem:$0x3FAE]  }
0x30: {  	s3 =	sld [smem:$0x3FB1]  }
0x31: {  	[smem:$0x3FBA] =	sst s10  }
0x32: {  	s10 =	sld [smem:$0x3FB8];
	_ =	sdelay $0x3  }
0x33: {  	p0 =	seq.s32 s10, $0x1;
	s10 =	sld [smem:$0x3FBA];
	_ =	sdelay $0x3  }
0x34: {  	[smem:$0x3FBA] =	sst s10  }
0x35: {  	s10 =	sld [smem:$0x3FB9];
	_ =	sdelay $0x3  }
0x36: {  	p1 =	seq.s32 s10, $0x1;
	s10 =	sld [smem:$0x3FBA];
	_ =	sdelay $0x3  }
0x37: {  	[smem:$0x3FBA] =	sst s10  }
0x38: {  	s10 =	sld [smem:$0x3FBB]  }
0x39: {  	_ = 	snop;
	(pc) =	sbr.ind lr, $3  }
0x3a: {  	_ = 	snop  }
0x3b: {  	_ = 	snop  }
0x3c: {  	p2 =	seq.s32 s10, $0x1;
	s10 =	sld [smem:$0x3FBA]  }
0x3d: {  	_ =	shalt  }
0x3e: {  	_ =	shalt  }
0x3f: {  	_ =	shalt  }
0x40: {  	_ =	shalt  }
0x41: {  	_ =	shalt  }
0x42: {  	_ =	shalt  }
0x43: {  	_ =	shalt  }
0x44: {  	_ =	shalt  }
0x45: {  	_ =	shalt  }
0x46: {  	_ =	shalt  }
0x47: {  	_ =	shalt  }
0x48: {  	_ =	shalt  }
0x49: {  	_ =	shalt  }
0x4a: {  	_ =	shalt  }
0x4b: {  	_ =	shalt  }
0x4c: {  	_ =	shalt  }
0x4d: {  	_ =	shalt  }
0x4e: {  	_ =	shalt  }
0x4f: {  	_ =	shalt  }
0x50: {  	_ =	shalt  }
0x51: {  	_ =	shalt  }
0x52: {  	_ =	shalt  }
0x53: {  	_ =	shalt  }
0x54: {  	_ =	shalt  }
0x55: {  	_ =	shalt  }
0x56: {  	_ =	shalt  }
0x57: {  	_ =	shalt  }
0x58: {  	_ =	shalt  }
0x59: {  	_ =	shalt  }
0x5a: {  	_ =	shalt  }
0x5b: {  	_ =	shalt  }
0x5c: {  	_ =	shalt  }
0x5d: {  	_ =	shalt  }
0x5e: {  	_ =	shalt  }
0x5f: {  	_ =	shalt  }
0x60: {  	_ =	shalt  }
0x61: {  	_ =	shalt  }
0x62: {  	_ =	shalt  }
0x63: {  	_ =	shalt  }
0x64: {  	_ =	shalt  }
0x65: {  	_ =	shalt  }
0x66: {  	_ =	shalt  }
0x67: {  	_ =	shalt  }
0x68: {  	_ =	shalt  }
0x69: {  	_ =	shalt  }
0x6a: {  	_ =	shalt  }
0x6b: {  	_ =	shalt  }
0x6c: {  	_ =	shalt  }
0x6d: {  	_ =	shalt  }
0x6e: {  	_ =	shalt  }
0x6f: {  	_ =	shalt  }
0x70: {  	_ =	shalt  }
0x71: {  	_ =	shalt  }
0x72: {  	_ =	shalt  }
0x73: {  	_ =	shalt  }
0x74: {  	_ =	shalt  }
0x75: {  	_ =	shalt  }
0x76: {  	_ =	shalt  }
0x77: {  	_ =	shalt  }
0x78: {  	_ =	shalt  }
0x79: {  	_ =	shalt  }
0x7a: {  	_ =	shalt  }
0x7b: {  	_ =	shalt  }
0x7c: {  	_ =	shalt  }
0x7d: {  	_ =	shalt  }
0x7e: {  	_ =	shalt  }
0x7f: {  	_ =	shalt  }
0x80: {  	_ =	shalt  }
0x81: {  	_ =	shalt  }
0x82: {  	_ =	shalt  }
0x83: {  	_ =	shalt  }
0x84: {  	_ =	shalt  }
0x85: {  	_ =	shalt  }
0x86: {  	_ =	shalt  }
0x87: {  	_ =	shalt  }
.Lfunc_end0:
.L_simem_size_0:
called_computation_lowered:
.L_overlay_start_0:
0x88: {  	s2 =	sld [smem:$0x3FD9]  }
0x89: {  	s3 =	sld [smem:$0x3FFE];
	_ =	sdelay $0x1  }
0x8a: {  	s1 =	srdreg.scid  }
0x8b: {  	s0 =	sand.u32 $0x1, s1  }
0x8c: {  	s18 =	sshll.u32 s0, $0xA;
	s2 =	sadd.s32 s3, s2  }
0x8d: {  	s2 =	sadd.s32 s2, s18  }
0x8e: {  	[smem:$0x3FC6] =	sst s2  }
0x8f: {  	_ = 	snop  }
0x90: {  	s2 =	sld [smem:$0x3FC9]  }
0x91: {  	s19 =	sld [smem:$0x3FC8]  }
0x92: {  	s4 =	sld [smem:$0x3FD0];
	(tm) =	ssettm $0x1  }
0x93: {  	s5 =	sld [smem:$0x3FFB];
	_ =	sdelay $0x3  }
0x94: {  	_ =	strace s5  }
0x95: {  	s5 =	sld [smem:$0x3FFC];
	_ =	sdelay $0x3  }
0x96: {  	_ =	strace s5  }
0x97: {  	s5 =	sld [smem:$0x3FFD];
	_ =	sdelay $0x3  }
0x98: {  	_ =	strace s5  }
0x99: {  	_ =	strace $0x8FFFFFFF  }
0x9a: {  	s20 =	sld [smem:$0x3FDB];
	_ =	sdelay $0x1  }
0x9b: {  	s6 =	simm.s32 $_scs_section_size  }
0x9c: {  	s7 =	simm.s32 $_size__tile_overlayer_lowered;
	s8 =	simm.s32 $_tile_overlayer_lowered  }
0x9d: {  	s23 =	simm.s32 $0x1BFF;
	s22 =	sshll.u32 s8, $0x1;
	s5 =	sadd.s32 s6, s20  }
0x9e: {  	s9 =	simm.s32 $0x0;
	s21 =	sshll.u32 s7, $0x1;
	s7 =	sadd.s32 s22, s5  }
0x9f: {  	[timem:s9], [sflag:s23] =	dma.local [hbm:s7], s21  }
0xa0: {  	_ =	swait.ge [sflag:s23], s21  }
0xa1: {  	s6 =	ssub.s32 $0x0, s21;
	[sflag:s23] =	ssyncset.done $0x0  }
0xa2: {  	[sflag:s23] =	ssyncadd.s32 s6;
	_ =	sdelay $0x1  }
0xa3: {  	s24 =	simm.s32 $0x1B8B  }
0xa4: {  	_ =	swait.ge [sflag:s24], $0x1  }
0xa5: {  	[sflag:s24] =	ssyncset.done $0x0  }
0xa6: {  	s25 =	simm.s32 $0x1B8E;
	[sflag:s24] =	ssyncadd.s32 $0xFFFFFFFF  }
0xa7: {  	s26 =	simm.s32 $execute0_lowered;
	[smem:$0x3FD2] =	sst s25  }
0xa8: {  	s6 =	sshll.u32 s26, $0x1;
	_ =	strace $0x80000046;
	[dreg:$0x1] =	wrdreg $0xFFFFFFFF  }
0xa9: {  	s28 =	simm.s32 $_size_execute0_lowered;
	s5 =	sadd.s32 s5, s6;
	[dreg:$0x0] =	wrdreg $0x0  }
0xaa: {  	s6 =	sshll.u32 s28, $0x1;
	[dreg:$0x2] =	wrdreg s5  }
0xab: {  	[dreg:$0x3] =	wrdreg s6  }
0xac: {  	[dreg:$0x4] =	wrdreg $0xC0  }
0xad: {  	_ =	task [dreg:s9], $0x5FFFF  }
0xae: {  	[dreg:$0x1] =	wrdreg $0xFFFFFFFF  }
0xaf: {  	[dreg:$0x0] =	wrdreg $0x60  }
0xb0: {  	[dreg:$0x2] =	wrdreg s2  }
0xb1: {  	[dreg:$0x3] =	wrdreg s19  }
0xb2: {  	[dreg:$0x4] =	wrdreg s4  }
0xb3: {  	[dreg:$0x5] =	wrdreg $0x9  }
0xb4: {  	_ =	task.clear_ibuf [dreg:s9], $0x6FFFF;
	_ =	strace $0x90000046  }
0xb5: {  	s29 =	simm.s32 $0x9;
	_ =	strace $0x80000048  }
0xb6: {  	_ =	swait.ge [sflag:s29], $0x1  }
0xb7: {  	[sflag:s29] =	ssyncadd.s32 $0xFFFFFFFF  }
0xb8: {  	_ =	strace $0x90000048  }
0xb9: {  	_ =	sfence  }
0xba: {  	s30 =	sld [smem:$0x0];
	_ =	sdelay $0x2  }
0xbb: {  	s31 =	sshll.u32 s1, $0xD;
	s1 =	sshrl.u32 s1, $0x2  }
0xbc: {  	s3 =	sand.u32 $0x4000, s31;
	s1 =	sadd.s32 s1, s30  }
0xbd: {  	s0 =	sor.u32 s3, s0;
	s1 =	sshll.u32 s1, $0x11  }
0xbe: {  	s0 =	sor.u32 s1, s0  }
0xbf: {  	s0 =	sadd.s32 $0x8F2B, s0  }
0xc0: {  	[sflag:s0] =	ssyncadd.remote.s32 $0x1  }
0xc1: {  	_ =	sfence.sel $0xFFFF  }
0xc2: {  	[dreg:$0x0] =	wrdreg $0xFFFFFFFF;
	(pc) =	sbr.abs _section_cstart, $3  }
0xc3: {  	[dreg:$0x1] =	wrdreg $0xFFFFFFFF  }
0xc4: {  	_ =	task.clear_ibuf [dreg:s9], $0x2FFFF;
	_ =	strace $0x9FFFFFFF  }
0xc5: {  	(tm) =	ssettm $0x7FFFFFFF  }
tec
execute0_lowered:
.L_overlay_start_1:
0x0: {  	(tag) =	ssettag $0x1  }
0x1: {  	s1 =	rddreg [dreg:$0x0]  }
0x2: {  	s30 =	rddreg [dreg:$0x1]  }
0x3: {  	s4 =	rddreg [dreg:$0x2]  }
0x4: {  	s0 =	srdreg.scid;
	s5 =	simm.s32 $0x0;
	s3 =	stileid.u32  }
0x5: {  	s0 =	sand.u32 $0x1, s0;
	s3 =	sshll.u32 s3, $0x9;
	[smem:$0x7FF] =	sst s5  }
0x6: {  	s20 =	sadd.s32 $0x100000, s4;
	s21 =	sadd.s32 $0x200000, s4;
	s2 =	ssub.s32 $0x2, s0  }
0x7: {  	s0 =	sshll.u32 s0, $0x8;
	_ =	strace $0x80000047;
	[dreg:$0xc] =	wrdreg s20  }
0x8: {  	s22 =	sadd.s32 $0x300000, s4;
	[dreg:$0xd] =	wrdreg s21;
	s0 =	sor.u32 s0, s3  }
0x9: {  	[dreg:$0xe] =	wrdreg s22;
	s8 =	sshll.u32 s0, $0x7;
	s0 =	sshrl.u32 s0, $0x3  }
0xa: {  	s28 =	simm.s32 $0xC000;
	s31 =	simm.s32 $0xE000;
	[dreg:$0xb] =	wrdreg s0  }
0xb: {  	s15 =	sadd.s32 $0x100000, s1;
	s14 =	sadd.s32 s30, s8;
	[dreg:$0x4] =	wrdreg s8  }
0xc: {  	s17 =	sadd.s32 $0x200000, s1;
	s16 =	sadd.s32 s8, s15;
	[dreg:$0x5] =	wrdreg s14  }
0xd: {  	s7 =	sadd.s32 $0x300000, s1;
	s10 =	sadd.s32 s8, s17;
	[dreg:$0x7] =	wrdreg s16  }
0xe: {  	s11 =	simm.s32 $0x6;
	s18 =	sadd.s32 s8, s7;
	[dreg:$0x8] =	wrdreg s10  }
0xf: {  	s29 =	simm.s32 $0x8;
	s19 =	sor.u32 $0x400, s8;
	[dreg:$0x9] =	wrdreg s18  }
0x10: {  	s6 =	sshrl.u32 s2, $0x1;
	s0 =	sor.u32 $0x2, s0;
	[dreg:$0xa] =	wrdreg s19  }
0x11: {  	s2 =	ssub.s32 s2, s6;
	s9 =	sadd.s32 s1, s8;
	[dreg:$0xf] =	wrdreg s0  }
0x12: {  	s3 =	simm.s32 $0x0;
	s2 =	smax.u32 s2, $0x1;
	[dreg:$0x6] =	wrdreg s9  }
0x13: {  	s23 =	sor.u32 $0x800, s8;
	s24 =	sadd.s32 $0x800, s9;
	[dreg:$0x11] =	wrdreg s2  }
0x14: {  	s8 =	simm.s32 $0x7;
	s25 =	sadd.s32 s15, s23;
	[dreg:$0x10] =	wrdreg s24  }
0x15: {  	s26 =	sadd.s32 s17, s23;
	s0 =	sadd.s32 s7, s23;
	[dreg:$0x12] =	wrdreg s25  }
0x16: {  	s9 =	simm.s32 $0x5;
	s19 =	simm.s32 $0x2;
	[dreg:$0x13] =	wrdreg s26  }
0x17: {  	s23 =	simm.s32 $0x9;
	[dreg:$0x14] =	wrdreg s0;
	s24 =	simm.s32 $0xA  }
.LBB2_1:
0x18: {  	s0 =	rddreg [dreg:$0x5]  }
0x19: {  	[tilespmem:s5], [sflag:$0x1] =	stream.linear.gather [hbm4b:s0+s5], $0x2000, $0x38;
	[tilespmem:$0x14000] =	vst v63  }
0x1a: {  	s17 =	rddreg [dreg:$0x6];
	s2 =	simm.s32 $0x4000  }
0x1b: {  	[tilespmem:s2], [sflag:$0x3] =	stream.linear.gather [hbm4b:s17+s5], $0x2000, $0x38;
	[tilespmem:$0x14000] =	vst v63  }
0x1c: {  	s18 =	rddreg [dreg:$0x7];
	s20 =	simm.s32 $0x6000  }
0x1d: {  	[tilespmem:s20], [sflag:$0x4] =	stream.linear.gather [hbm4b:s18+s5], $0x2000, $0x38;
	[tilespmem:$0x14000] =	vst v63  }
0x1e: {  	s21 =	rddreg [dreg:$0x8];
	s22 =	simm.s32 $0x8000  }
0x1f: {  	[tilespmem:s22], [sflag:$0x5] =	stream.linear.gather [hbm4b:s21+s5], $0x2000, $0x38;
	[tilespmem:$0x14000] =	vst v63  }
0x20: {  	s25 =	rddreg [dreg:$0x9];
	s26 =	simm.s32 $0xA000  }
0x21: {  	[tilespmem:s26], [sflag:$0x6] =	stream.linear.gather [hbm4b:s25+s5], $0x2000, $0x38;
	[tilespmem:$0x14000] =	vst v63  }
0x22: {  	[dreg:$0x15] =	wrdreg s3;
	s25 =	simm.s32 $0x0  }
.LBB2_2:
0x23: {  	s14 =	sshll.u32 s25, $0x1;
	s0 =	rddreg [dreg:$0xb]  }
0x24: {  	s17 =	simm.s32 $0x1;
	s2 =	sadd.s32 s14, s0  }
0x25: {  	_ =	swait.ge [sflag:s17], $0x2000;
	s2 =	sshll.u32 s2, $0xA  }
0x26: {  	s18 =	simm.s32 $0x2000;
	[sflag:s17] =	ssyncset.done $0x0;
	s2 =	sadd.s32 s30, s2  }
0x27: {  	p0 =	seq.s32 s25, $0x0;
	[sflag:s17] =	ssyncadd.s32 $0xFFFFE000;
	s2 =	sadd.s32 $0x400, s2  }
0x28: {  	[tilespmem:s18], [sflag:$0x2] =	stream.linear.gather [hbm4b:s2+s5], $0x2000, $0x38;
	[tilespmem:$0x14000] =	vst v63  }
0x29: {  	s2 =	simm.s32 @!p0 $0xF  }
0x2a: {  	_ =	swait.ge @!p0 [sflag:s2], $0x2000  }
0x2b: {  	s26 =	sshll.u32 s25, $0xB;
	s20 =	rddreg [dreg:$0xa]  }
0x2c: {  	s21 =	simm.s32 $0x3;
	[sflag:s2] =	ssyncset.done @!p0 $0x0;
	s12 =	sadd.s32 s20, s26  }
0x2d: {  	[sflag:s2] =	ssyncadd.s32 @!p0 $0xFFFFE000;
	s2 =	simm.s32 $0x0;
	s6 =	sadd.s32 s1, s12  }
0x2e: {  	[tilespmem:s28], [sflag:$0x7] =	stream.linear.gather [hbm4b:s6+s2], $0x2000, $0x38;
	[tilespmem:$0x14000] =	vst v63  }
0x2f: {  	s22 =	sand.u32 $0x1C00, s2;
	_ =	swait.ge [sflag:s21], $0x2000  }
0x30: {  	s13 =	sor.u32 s22, s2;
	[sflag:s21] =	ssyncset.done $0x0  }
0x31: {  	s15 =	sand.u32 $0x380, s2;
	s13 =	sor.u32 $0x70, s13;
	[sflag:s21] =	ssyncadd.s32 $0xFFFFE000  }
0x32: {  	s16 =	sor.u32 s15, s22;
	v0 =	vld [tilespmem:s13+$0x0]  }
0x33: {  	v3 =	vld [tilespmem:s16+$0x0]  }
0x34: {  	v4 =	vld [tilespmem:s16+$0x10]  }
0x35: {  	v5 =	vld [tilespmem:s16+$0x20]  }
0x36: {  	v6 =	vld [tilespmem:s16+$0x30]  }
0x37: {  	v2 =	vld [tilespmem:s16+$0x40]  }
0x38: {  	v1 =	vld [tilespmem:s16+$0x50]  }
0x39: {  	[tilespmem:s13+$0x4000] =	vst.add.f32.msk $0xffff, v0  }
0x3a: {  	s6 =	sor.u32 $0x4000, s16;
	v0 =	vld [tilespmem:s16+$0x60]  }
0x3b: {  	s28 =	sor.u32 $0x4010, s16;
	[tilespmem:s6+$0x0] =	vst.add.f32.msk $0xffff, v3  }
0x3c: {  	s3 =	smov.u32 s30;
	s15 =	sor.u32 $0x4020, s16;
	[tilespmem:s28+$0x0] =	vst.add.f32.msk $0xffff, v4  }
0x3d: {  	s30 =	sor.u32 $0x4030, s16;
	s17 =	sor.u32 $0x4040, s16;
	s6 =	simm.s32 $0x0;
	[tilespmem:s15+$0x0] =	vst.add.f32.msk $0xffff, v5  }
0x3e: {  	s15 =	sor.u32 $0x4050, s16;
	s16 =	sor.u32 $0x4060, s16;
	[tilespmem:s30+$0x0] =	vst.add.f32.msk $0xffff, v6;
	s13 =	simm.s32 $0x400  }
.LBB2_3:
0x3f: {  	s18 =	sand.u32 $0x1C00, s13;
	s6 =	sadd.s32 $0x80, s6;
	[tilespmem:s17+$0x0] =	vst.add.f32.msk $0xffff, v2;
	s2 =	sadd.s32 $0x10, s2  }
0x40: {  	s17 =	sand.u32 $0x380, s2;
	s20 =	sor.u32 s18, s2;
	p1 =	slt.u32 s6, $0x1F80;
	[tilespmem:s15+$0x0] =	vst.add.f32.msk $0xffff, v1  }
0x41: {  	s18 =	sor.u32 s17, s18;
	s20 =	sor.u32 $0x70, s20;
	[tilespmem:s16+$0x0] =	vst.add.f32.msk $0xffff, v0  }
0x42: {  	s21 =	sor.u32 $0x4000, s18;
	s22 =	sor.u32 $0x4010, s18;
	s30 =	sor.u32 $0x4020, s18;
	v0 =	vld [tilespmem:s20+$0x0]  }
0x43: {  	s0 =	sor.u32 $0x4030, s18;
	s17 =	sor.u32 $0x4040, s18;
	s15 =	sor.u32 $0x4050, s18;
	v3 =	vld [tilespmem:s18+$0x0]  }
0x44: {  	s16 =	sor.u32 $0x4060, s18;
	v4 =	vld [tilespmem:s18+$0x10]  }
0x45: {  	v5 =	vld [tilespmem:s18+$0x20]  }
0x46: {  	v6 =	vld [tilespmem:s18+$0x30]  }
0x47: {  	[tilespmem:s20+$0x4000] =	vst.add.f32.msk $0xffff, v0  }
0x48: {  	v2 =	vld [tilespmem:s18+$0x40]  }
0x49: {  	v1 =	vld [tilespmem:s18+$0x50]  }
.Ltmp0:
0x4a: {  	v0 =	vld [tilespmem:s18+$0x60];
	(pc) =	sbr.rel @p1 .LBB2_3-.Ltmp0, $4  }
0x4b: {  	[tilespmem:s21+$0x0] =	vst.add.f32.msk $0xffff, v3  }
0x4c: {  	[tilespmem:s22+$0x0] =	vst.add.f32.msk $0xffff, v4  }
0x4d: {  	[tilespmem:s30+$0x0] =	vst.add.f32.msk $0xffff, v5  }
0x4e: {  	s13 =	sadd.s32 $0x400, s13;
	[tilespmem:s0+$0x0] =	vst.add.f32.msk $0xffff, v6  }
0x4f: {  	[tilespmem:s17+$0x0] =	vst.add.f32.msk $0xffff, v2  }
0x50: {  	[tilespmem:s15+$0x0] =	vst.add.f32.msk $0xffff, v1  }
0x51: {  	s0 =	rddreg [dreg:$0x4]  }
0x52: {  	s15 =	sor.u32 s0, s26  }
0x53: {  	s2 =	simm.s32 $0x4000;
	[tilespmem:s16+$0x0] =	vst.add.f32.msk $0xffff, v0;
	s0 =	sadd.s32 s4, s15  }
0x54: {  	[hbm4b:s0+s5] =	stream.linear.scatter [tilespmem:s2], [sflag:$0xB], $0x2000, $0x38;
	[tilespmem:$0x14000] =	vst v63  }
0x55: {  	s0 =	simm.s32 @!p0 $0x10  }
0x56: {  	_ =	swait.ge @!p0 [sflag:s0], $0x2000  }
0x57: {  	s13 =	sadd.s32 $0x100000, s12;
	s7 =	simm.s32 $0x4;
	[sflag:s0] =	ssyncset.done @!p0 $0x0  }
0x58: {  	s20 =	sadd.s32 s1, s13;
	s2 =	simm.s32 $0x0;
	[sflag:s0] =	ssyncadd.s32 @!p0 $0xFFFFE000  }
0x59: {  	[tilespmem:s31], [sflag:$0x8] =	stream.linear.gather [hbm4b:s20+s2], $0x2000, $0x38;
	[tilespmem:$0x14000] =	vst v63  }
0x5a: {  	s21 =	sand.u32 $0x1C00, s2;
	_ =	swait.ge [sflag:s7], $0x2000  }
0x5b: {  	s6 =	sor.u32 s21, s2;
	[sflag:s7] =	ssyncset.done $0x0  }
0x5c: {  	s22 =	sand.u32 $0x380, s2;
	s6 =	sor.u32 $0x70, s6;
	[sflag:s7] =	ssyncadd.s32 $0xFFFFE000  }
0x5d: {  	s0 =	sor.u32 s22, s21;
	v0 =	vld [tilespmem:s6+$0x0]  }
0x5e: {  	v3 =	vld [tilespmem:s0+$0x0]  }
0x5f: {  	v4 =	vld [tilespmem:s0+$0x10]  }
0x60: {  	v5 =	vld [tilespmem:s0+$0x20]  }
0x61: {  	v6 =	vld [tilespmem:s0+$0x30]  }
0x62: {  	v2 =	vld [tilespmem:s0+$0x40]  }
0x63: {  	v1 =	vld [tilespmem:s0+$0x50]  }
0x64: {  	[tilespmem:s6+$0x6000] =	vst.add.f32.msk $0xffff, v0  }
0x65: {  	s28 =	sor.u32 $0x6000, s0;
	v0 =	vld [tilespmem:s0+$0x60]  }
0x66: {  	s16 =	sor.u32 $0x6010, s0;
	[tilespmem:s28+$0x0] =	vst.add.f32.msk $0xffff, v3  }
0x67: {  	s30 =	sor.u32 $0x6020, s0;
	[tilespmem:s16+$0x0] =	vst.add.f32.msk $0xffff, v4  }
0x68: {  	s31 =	sor.u32 $0x6030, s0;
	s20 =	sor.u32 $0x6040, s0;
	s18 =	sor.u32 $0x6050, s0;
	[tilespmem:s30+$0x0] =	vst.add.f32.msk $0xffff, v5  }
0x69: {  	s17 =	sor.u32 $0x6060, s0;
	s6 =	simm.s32 $0x0;
	[tilespmem:s31+$0x0] =	vst.add.f32.msk $0xffff, v6;
	s16 =	simm.s32 $0x400  }
.LBB2_5:
0x6a: {  	s0 =	sand.u32 $0x1C00, s16;
	s6 =	sadd.s32 $0x80, s6;
	[tilespmem:s20+$0x0] =	vst.add.f32.msk $0xffff, v2;
	s2 =	sadd.s32 $0x10, s2  }
0x6b: {  	s20 =	sand.u32 $0x380, s2;
	s21 =	sor.u32 s0, s2;
	p1 =	slt.u32 s6, $0x1F80;
	[tilespmem:s18+$0x0] =	vst.add.f32.msk $0xffff, v1  }
0x6c: {  	s0 =	sor.u32 s20, s0;
	s21 =	sor.u32 $0x70, s21;
	[tilespmem:s17+$0x0] =	vst.add.f32.msk $0xffff, v0  }
0x6d: {  	s22 =	sor.u32 $0x6000, s0;
	s30 =	sor.u32 $0x6010, s0;
	s7 =	sor.u32 $0x6020, s0;
	v0 =	vld [tilespmem:s21+$0x0]  }
0x6e: {  	s10 =	sor.u32 $0x6030, s0;
	s20 =	sor.u32 $0x6040, s0;
	s18 =	sor.u32 $0x6050, s0;
	v3 =	vld [tilespmem:s0+$0x0]  }
0x6f: {  	s17 =	sor.u32 $0x6060, s0;
	v4 =	vld [tilespmem:s0+$0x10]  }
0x70: {  	v5 =	vld [tilespmem:s0+$0x20]  }
0x71: {  	v6 =	vld [tilespmem:s0+$0x30]  }
0x72: {  	[tilespmem:s21+$0x6000] =	vst.add.f32.msk $0xffff, v0  }
0x73: {  	v2 =	vld [tilespmem:s0+$0x40]  }
0x74: {  	v1 =	vld [tilespmem:s0+$0x50]  }
.Ltmp1:
0x75: {  	v0 =	vld [tilespmem:s0+$0x60];
	(pc) =	sbr.rel @p1 .LBB2_5-.Ltmp1, $4  }
0x76: {  	[tilespmem:s22+$0x0] =	vst.add.f32.msk $0xffff, v3  }
0x77: {  	[tilespmem:s30+$0x0] =	vst.add.f32.msk $0xffff, v4  }
0x78: {  	[tilespmem:s7+$0x0] =	vst.add.f32.msk $0xffff, v5  }
0x79: {  	s16 =	sadd.s32 $0x400, s16;
	[tilespmem:s10+$0x0] =	vst.add.f32.msk $0xffff, v6  }
0x7a: {  	[tilespmem:s20+$0x0] =	vst.add.f32.msk $0xffff, v2  }
0x7b: {  	[tilespmem:s18+$0x0] =	vst.add.f32.msk $0xffff, v1  }
0x7c: {  	[tilespmem:s17+$0x0] =	vst.add.f32.msk $0xffff, v0  }
0x7d: {  	s0 =	rddreg [dreg:$0xc]  }
0x7e: {  	s2 =	simm.s32 $0x6000;
	s0 =	sadd.s32 s15, s0  }
0x7f: {  	[hbm4b:s0+s5] =	stream.linear.scatter [tilespmem:s2], [sflag:$0xC], $0x2000, $0x38;
	[tilespmem:$0x14000] =	vst v63  }
0x80: {  	s0 =	simm.s32 @!p0 $0x11  }
0x81: {  	_ =	swait.ge @!p0 [sflag:s0], $0x2000  }
0x82: {  	s6 =	sadd.s32 $0x200000, s12;
	s7 =	simm.s32 $0x10000;
	[sflag:s0] =	ssyncset.done @!p0 $0x0  }
0x83: {  	s20 =	sadd.s32 s1, s6;
	s2 =	simm.s32 $0x0;
	[sflag:s0] =	ssyncadd.s32 @!p0 $0xFFFFE000  }
0x84: {  	[tilespmem:s7], [sflag:$0x9] =	stream.linear.gather [hbm4b:s20+s2], $0x2000, $0x38;
	[tilespmem:$0x14000] =	vst v63  }
0x85: {  	s21 =	sand.u32 $0x1C00, s2;
	_ =	swait.ge [sflag:s9], $0x2000  }
0x86: {  	s22 =	sor.u32 s21, s2;
	[sflag:s9] =	ssyncset.done $0x0  }
0x87: {  	s10 =	sand.u32 $0x380, s2;
	s7 =	sor.u32 $0x70, s22;
	[sflag:s9] =	ssyncadd.s32 $0xFFFFE000  }
0x88: {  	s0 =	sor.u32 s10, s21;
	v0 =	vld [tilespmem:s7+$0x0]  }
0x89: {  	v3 =	vld [tilespmem:s0+$0x0]  }
0x8a: {  	v4 =	vld [tilespmem:s0+$0x10]  }
0x8b: {  	v5 =	vld [tilespmem:s0+$0x20]  }
0x8c: {  	v6 =	vld [tilespmem:s0+$0x30]  }
0x8d: {  	v2 =	vld [tilespmem:s0+$0x40]  }
0x8e: {  	v1 =	vld [tilespmem:s0+$0x50]  }
0x8f: {  	[tilespmem:s7+$0x8000] =	vst.add.f32.msk $0xffff, v0  }
0x90: {  	s28 =	sor.u32 $0x8000, s0;
	v0 =	vld [tilespmem:s0+$0x60]  }
0x91: {  	s10 =	sor.u32 $0x8010, s0;
	[tilespmem:s28+$0x0] =	vst.add.f32.msk $0xffff, v3  }
0x92: {  	s30 =	sor.u32 $0x8020, s0;
	[tilespmem:s10+$0x0] =	vst.add.f32.msk $0xffff, v4  }
0x93: {  	s16 =	simm.s32 $0x0;
	s17 =	simm.s32 $0x400;
	s31 =	sor.u32 $0x8030, s0;
	[tilespmem:s30+$0x0] =	vst.add.f32.msk $0xffff, v5  }
0x94: {  	s21 =	sor.u32 $0x8040, s0;
	s20 =	sor.u32 $0x8050, s0;
	s18 =	sor.u32 $0x8060, s0;
	[tilespmem:s31+$0x0] =	vst.add.f32.msk $0xffff, v6  }
.LBB2_7:
0x95: {  	s0 =	sand.u32 $0x1C00, s17;
	s16 =	sadd.s32 $0x80, s16;
	[tilespmem:s21+$0x0] =	vst.add.f32.msk $0xffff, v2;
	s2 =	sadd.s32 $0x10, s2  }
0x96: {  	s7 =	sand.u32 $0x380, s2;
	s10 =	sor.u32 s0, s2;
	p1 =	slt.u32 s16, $0x1F80;
	[tilespmem:s20+$0x0] =	vst.add.f32.msk $0xffff, v1  }
0x97: {  	s0 =	sor.u32 s7, s0;
	s7 =	sor.u32 $0x70, s10;
	[tilespmem:s18+$0x0] =	vst.add.f32.msk $0xffff, v0  }
0x98: {  	s10 =	sor.u32 $0x8000, s0;
	s22 =	sor.u32 $0x8010, s0;
	s30 =	sor.u32 $0x8020, s0;
	v0 =	vld [tilespmem:s7+$0x0]  }
0x99: {  	s28 =	sor.u32 $0x8030, s0;
	s21 =	sor.u32 $0x8040, s0;
	s20 =	sor.u32 $0x8050, s0;
	v3 =	vld [tilespmem:s0+$0x0]  }
0x9a: {  	s18 =	sor.u32 $0x8060, s0;
	v4 =	vld [tilespmem:s0+$0x10]  }
0x9b: {  	v5 =	vld [tilespmem:s0+$0x20]  }
0x9c: {  	v6 =	vld [tilespmem:s0+$0x30]  }
0x9d: {  	[tilespmem:s7+$0x8000] =	vst.add.f32.msk $0xffff, v0  }
0x9e: {  	v2 =	vld [tilespmem:s0+$0x40]  }
0x9f: {  	v1 =	vld [tilespmem:s0+$0x50]  }
.Ltmp2:
0xa0: {  	v0 =	vld [tilespmem:s0+$0x60];
	(pc) =	sbr.rel @p1 .LBB2_7-.Ltmp2, $4  }
0xa1: {  	[tilespmem:s10+$0x0] =	vst.add.f32.msk $0xffff, v3  }
0xa2: {  	[tilespmem:s22+$0x0] =	vst.add.f32.msk $0xffff, v4  }
0xa3: {  	[tilespmem:s30+$0x0] =	vst.add.f32.msk $0xffff, v5  }
0xa4: {  	s17 =	sadd.s32 $0x400, s17;
	[tilespmem:s28+$0x0] =	vst.add.f32.msk $0xffff, v6  }
0xa5: {  	[tilespmem:s21+$0x0] =	vst.add.f32.msk $0xffff, v2  }
0xa6: {  	[tilespmem:s20+$0x0] =	vst.add.f32.msk $0xffff, v1  }
0xa7: {  	[tilespmem:s18+$0x0] =	vst.add.f32.msk $0xffff, v0  }
0xa8: {  	s0 =	rddreg [dreg:$0xd]  }
0xa9: {  	s2 =	simm.s32 $0x8000;
	s0 =	sadd.s32 s15, s0  }
0xaa: {  	[hbm4b:s0+s5] =	stream.linear.scatter [tilespmem:s2], [sflag:$0xD], $0x2000, $0x38;
	[tilespmem:$0x14000] =	vst v63  }
0xab: {  	s0 =	simm.s32 @!p0 $0x12  }
0xac: {  	_ =	swait.ge @!p0 [sflag:s0], $0x2000  }
0xad: {  	s16 =	simm.s32 $0x0;
	s2 =	sadd.s32 $0x300000, s12;
	[sflag:s0] =	ssyncset.done @!p0 $0x0  }
0xae: {  	s7 =	simm.s32 $0x12000;
	s20 =	sadd.s32 s1, s2;
	[sflag:s0] =	ssyncadd.s32 @!p0 $0xFFFFE000  }
0xaf: {  	[tilespmem:s7], [sflag:$0xA] =	stream.linear.gather [hbm4b:s20+s16], $0x2000, $0x38;
	[tilespmem:$0x14000] =	vst v63  }
0xb0: {  	s21 =	sand.u32 $0x1C00, s16;
	_ =	swait.ge [sflag:s11], $0x2000  }
0xb1: {  	s22 =	sor.u32 s21, s16;
	[sflag:s11] =	ssyncset.done $0x0  }
0xb2: {  	s10 =	sand.u32 $0x380, s16;
	s7 =	sor.u32 $0x70, s22;
	[sflag:s11] =	ssyncadd.s32 $0xFFFFE000  }
0xb3: {  	s0 =	sor.u32 s10, s21;
	v0 =	vld [tilespmem:s7+$0x0]  }
0xb4: {  	v3 =	vld [tilespmem:s0+$0x0]  }
0xb5: {  	v4 =	vld [tilespmem:s0+$0x10]  }
0xb6: {  	v5 =	vld [tilespmem:s0+$0x20]  }
0xb7: {  	v6 =	vld [tilespmem:s0+$0x30]  }
0xb8: {  	v2 =	vld [tilespmem:s0+$0x40]  }
0xb9: {  	v1 =	vld [tilespmem:s0+$0x50]  }
0xba: {  	[tilespmem:s7+$0xA000] =	vst.add.f32.msk $0xffff, v0  }
0xbb: {  	s28 =	sor.u32 $0xA000, s0;
	v0 =	vld [tilespmem:s0+$0x60]  }
0xbc: {  	s10 =	sor.u32 $0xA010, s0;
	[tilespmem:s28+$0x0] =	vst.add.f32.msk $0xffff, v3  }
0xbd: {  	s30 =	sor.u32 $0xA020, s0;
	[tilespmem:s10+$0x0] =	vst.add.f32.msk $0xffff, v4  }
0xbe: {  	s17 =	simm.s32 $0x0;
	s18 =	simm.s32 $0x400;
	s31 =	sor.u32 $0xA030, s0;
	[tilespmem:s30+$0x0] =	vst.add.f32.msk $0xffff, v5  }
0xbf: {  	s22 =	sor.u32 $0xA040, s0;
	s21 =	sor.u32 $0xA050, s0;
	s20 =	sor.u32 $0xA060, s0;
	[tilespmem:s31+$0x0] =	vst.add.f32.msk $0xffff, v6  }
.LBB2_9:
0xc0: {  	s0 =	sand.u32 $0x1C00, s18;
	s17 =	sadd.s32 $0x80, s17;
	[tilespmem:s22+$0x0] =	vst.add.f32.msk $0xffff, v2;
	s16 =	sadd.s32 $0x10, s16  }
0xc1: {  	s7 =	sand.u32 $0x380, s16;
	s10 =	sor.u32 s0, s16;
	p0 =	slt.u32 s17, $0x1F80;
	[tilespmem:s21+$0x0] =	vst.add.f32.msk $0xffff, v1  }
0xc2: {  	s0 =	sor.u32 s7, s0;
	s7 =	sor.u32 $0x70, s10;
	[tilespmem:s20+$0x0] =	vst.add.f32.msk $0xffff, v0  }
0xc3: {  	s10 =	sor.u32 $0xA000, s0;
	s28 =	sor.u32 $0xA010, s0;
	s30 =	sor.u32 $0xA020, s0;
	v0 =	vld [tilespmem:s7+$0x0]  }
0xc4: {  	s31 =	sor.u32 $0xA030, s0;
	s22 =	sor.u32 $0xA040, s0;
	s21 =	sor.u32 $0xA050, s0;
	v3 =	vld [tilespmem:s0+$0x0]  }
0xc5: {  	s20 =	sor.u32 $0xA060, s0;
	v4 =	vld [tilespmem:s0+$0x10]  }
0xc6: {  	v5 =	vld [tilespmem:s0+$0x20]  }
0xc7: {  	v6 =	vld [tilespmem:s0+$0x30]  }
0xc8: {  	[tilespmem:s7+$0xA000] =	vst.add.f32.msk $0xffff, v0  }
0xc9: {  	v2 =	vld [tilespmem:s0+$0x40]  }
0xca: {  	v1 =	vld [tilespmem:s0+$0x50]  }
.Ltmp3:
0xcb: {  	v0 =	vld [tilespmem:s0+$0x60];
	(pc) =	sbr.rel @p0 .LBB2_9-.Ltmp3, $4  }
0xcc: {  	[tilespmem:s10+$0x0] =	vst.add.f32.msk $0xffff, v3  }
0xcd: {  	[tilespmem:s28+$0x0] =	vst.add.f32.msk $0xffff, v4  }
0xce: {  	[tilespmem:s30+$0x0] =	vst.add.f32.msk $0xffff, v5  }
0xcf: {  	s18 =	sadd.s32 $0x400, s18;
	[tilespmem:s31+$0x0] =	vst.add.f32.msk $0xffff, v6  }
0xd0: {  	[tilespmem:s22+$0x0] =	vst.add.f32.msk $0xffff, v2  }
0xd1: {  	[tilespmem:s21+$0x0] =	vst.add.f32.msk $0xffff, v1  }
0xd2: {  	[tilespmem:s20+$0x0] =	vst.add.f32.msk $0xffff, v0  }
0xd3: {  	s0 =	rddreg [dreg:$0xe]  }
0xd4: {  	s7 =	simm.s32 $0xA000;
	s0 =	sadd.s32 s15, s0  }
0xd5: {  	[hbm4b:s0+s5] =	stream.linear.scatter [tilespmem:s7], [sflag:$0xE], $0x2000, $0x38;
	[tilespmem:$0x14000] =	vst v63  }
0xd6: {  	p0 =	seq.s32 s25, $0xF;
	s0 =	rddreg [dreg:$0xf]  }
0xd7: {  	s0 =	sadd.s32 @!p0 s14, s0  }
0xd8: {  	_ =	swait.ge [sflag:s19], $0x2000;
	s0 =	sshll.u32 @!p0 s0, $0xA  }
0xd9: {  	[sflag:s19] =	ssyncset.done $0x0;
	s0 =	sand.u32 @!p0 $0x1FFFF800, s0  }
0xda: {  	s7 =	simm.s32 @!p0 $0x0;
	[sflag:s19] =	ssyncadd.s32 $0xFFFFE000;
	s0 =	sadd.s32 @!p0 s3, s0  }
0xdb: {  	[tilespmem:s7], [sflag:$0x1] =	stream.linear.gather @!p0 [hbm4b:s0+s7], $0x2000, $0x38;
	[tilespmem:$0x14000] =	vst v63  }
0xdc: {  	s0 =	simm.s32 @!p0 $0xB  }
0xdd: {  	_ =	swait.ge @!p0 [sflag:s0], $0x2000  }
0xde: {  	[sflag:s0] =	ssyncset.done @!p0 $0x0  }
0xdf: {  	[sflag:s0] =	ssyncadd.s32 @!p0 $0xFFFFE000;
	s0 =	rddreg [dreg:$0x10]  }
0xe0: {  	s10 =	simm.s32 @!p0 $0x4000;
	s14 =	simm.s32 $0x0;
	s0 =	sadd.s32 @!p0 s26, s0  }
0xe1: {  	[tilespmem:s10], [sflag:$0x3] =	stream.linear.gather @!p0 [hbm4b:s0+s7], $0x2000, $0x38;
	[tilespmem:$0x14000] =	vst v63  }
0xe2: {  	s18 =	sand.u32 $0x1C00, s14;
	_ =	swait.ge [sflag:s8], $0x2000  }
0xe3: {  	s20 =	sor.u32 s18, s14;
	[sflag:s8] =	ssyncset.done $0x0  }
0xe4: {  	s21 =	sand.u32 $0x380, s14;
	s7 =	sor.u32 $0x70, s20;
	[sflag:s8] =	ssyncadd.s32 $0xFFFFE000  }
0xe5: {  	s0 =	sor.u32 s21, s18;
	v0 =	vld [tilespmem:s7+$0x2000]  }
0xe6: {  	v3 =	vld [tilespmem:s0+$0x2000]  }
0xe7: {  	v4 =	vld [tilespmem:s0+$0x2010]  }
0xe8: {  	v5 =	vld [tilespmem:s0+$0x2020]  }
0xe9: {  	v6 =	vld [tilespmem:s0+$0x2030]  }
0xea: {  	v2 =	vld [tilespmem:s0+$0x2040]  }
0xeb: {  	v1 =	vld [tilespmem:s0+$0x2050]  }
0xec: {  	[tilespmem:s7+$0xC000] =	vst.add.f32.msk $0xffff, v0  }
0xed: {  	s22 =	sor.u32 $0xC000, s0;
	v0 =	vld [tilespmem:s0+$0x2060]  }
0xee: {  	s10 =	sor.u32 $0xC010, s0;
	[tilespmem:s22+$0x0] =	vst.add.f32.msk $0xffff, v3  }
0xef: {  	s30 =	smov.u32 s3;
	s28 =	sor.u32 $0xC020, s0;
	[tilespmem:s10+$0x0] =	vst.add.f32.msk $0xffff, v4  }
0xf0: {  	s16 =	simm.s32 $0x400;
	s15 =	simm.s32 $0x0;
	s31 =	sor.u32 $0xC030, s0;
	[tilespmem:s28+$0x0] =	vst.add.f32.msk $0xffff, v5  }
0xf1: {  	s20 =	sor.u32 $0xC040, s0;
	s18 =	sor.u32 $0xC050, s0;
	s17 =	sor.u32 $0xC060, s0;
	[tilespmem:s31+$0x0] =	vst.add.f32.msk $0xffff, v6  }
.LBB2_11:
0xf2: {  	s0 =	sand.u32 $0x1C00, s16;
	s15 =	sadd.s32 $0x80, s15;
	[tilespmem:s20+$0x0] =	vst.add.f32.msk $0xffff, v2;
	s14 =	sadd.s32 $0x10, s14  }
0xf3: {  	s7 =	sand.u32 $0x380, s14;
	s10 =	sor.u32 s0, s14;
	p1 =	slt.u32 s15, $0x1F80;
	[tilespmem:s18+$0x0] =	vst.add.f32.msk $0xffff, v1  }
0xf4: {  	s0 =	sor.u32 s7, s0;
	s7 =	sor.u32 $0x70, s10;
	[tilespmem:s17+$0x0] =	vst.add.f32.msk $0xffff, v0  }
0xf5: {  	s10 =	sor.u32 $0xC000, s0;
	s21 =	sor.u32 $0xC010, s0;
	s22 =	sor.u32 $0xC020, s0;
	v0 =	vld [tilespmem:s7+$0x2000]  }
0xf6: {  	s28 =	sor.u32 $0xC030, s0;
	s20 =	sor.u32 $0xC040, s0;
	s18 =	sor.u32 $0xC050, s0;
	v3 =	vld [tilespmem:s0+$0x2000]  }
0xf7: {  	s17 =	sor.u32 $0xC060, s0;
	v4 =	vld [tilespmem:s0+$0x2010]  }
0xf8: {  	v5 =	vld [tilespmem:s0+$0x2020]  }
0xf9: {  	v6 =	vld [tilespmem:s0+$0x2030]  }
0xfa: {  	[tilespmem:s7+$0xC000] =	vst.add.f32.msk $0xffff, v0  }
0xfb: {  	v2 =	vld [tilespmem:s0+$0x2040]  }
0xfc: {  	v1 =	vld [tilespmem:s0+$0x2050]  }
.Ltmp4:
0xfd: {  	v0 =	vld [tilespmem:s0+$0x2060];
	(pc) =	sbr.rel @p1 .LBB2_11-.Ltmp4, $4  }
0xfe: {  	[tilespmem:s10+$0x0] =	vst.add.f32.msk $0xffff, v3  }
0xff: {  	[tilespmem:s21+$0x0] =	vst.add.f32.msk $0xffff, v4  }
0x100: {  	[tilespmem:s22+$0x0] =	vst.add.f32.msk $0xffff, v5  }
0x101: {  	s16 =	sadd.s32 $0x400, s16;
	[tilespmem:s28+$0x0] =	vst.add.f32.msk $0xffff, v6  }
0x102: {  	[tilespmem:s20+$0x0] =	vst.add.f32.msk $0xffff, v2  }
0x103: {  	[tilespmem:s18+$0x0] =	vst.add.f32.msk $0xffff, v1  }
0x104: {  	[tilespmem:s17+$0x0] =	vst.add.f32.msk $0xffff, v0;
	s0 =	sadd.s32 s4, s12;
	s28 =	simm.s32 $0xC000  }
0x105: {  	[hbm4b:s0+s5] =	stream.linear.scatter [tilespmem:s28], [sflag:$0xF], $0x2000, $0x38;
	[tilespmem:$0x14000] =	vst v63  }
0x106: {  	s0 =	simm.s32 @!p0 $0xC  }
0x107: {  	_ =	swait.ge @!p0 [sflag:s0], $0x2000  }
0x108: {  	[sflag:s0] =	ssyncset.done @!p0 $0x0  }
0x109: {  	s7 =	simm.s32 @!p0 $0x0;
	[sflag:s0] =	ssyncadd.s32 @!p0 $0xFFFFE000;
	s0 =	rddreg [dreg:$0x12]  }
0x10a: {  	s10 =	simm.s32 @!p0 $0x6000;
	s12 =	simm.s32 $0x0;
	s0 =	sadd.s32 @!p0 s0, s26  }
0x10b: {  	[tilespmem:s10], [sflag:$0x4] =	stream.linear.gather @!p0 [hbm4b:s0+s7], $0x2000, $0x38;
	[tilespmem:$0x14000] =	vst v63  }
0x10c: {  	s16 =	sand.u32 $0x1C00, s12;
	_ =	swait.ge [sflag:s29], $0x2000  }
0x10d: {  	s17 =	sor.u32 s16, s12;
	[sflag:s29] =	ssyncset.done $0x0  }
0x10e: {  	s18 =	sand.u32 $0x380, s12;
	s7 =	sor.u32 $0x70, s17;
	[sflag:s29] =	ssyncadd.s32 $0xFFFFE000  }
0x10f: {  	s0 =	sor.u32 s18, s16;
	v0 =	vld [tilespmem:s7+$0x2000]  }
0x110: {  	v3 =	vld [tilespmem:s0+$0x2000]  }
0x111: {  	v4 =	vld [tilespmem:s0+$0x2010]  }
0x112: {  	v5 =	vld [tilespmem:s0+$0x2020]  }
0x113: {  	v6 =	vld [tilespmem:s0+$0x2030]  }
0x114: {  	v2 =	vld [tilespmem:s0+$0x2040]  }
0x115: {  	v1 =	vld [tilespmem:s0+$0x2050]  }
0x116: {  	[tilespmem:s7+$0xE000] =	vst.add.f32.msk $0xffff, v0  }
0x117: {  	s20 =	sor.u32 $0xE000, s0;
	v0 =	vld [tilespmem:s0+$0x2060]  }
0x118: {  	s10 =	sor.u32 $0xE010, s0;
	[tilespmem:s20+$0x0] =	vst.add.f32.msk $0xffff, v3  }
0x119: {  	s14 =	simm.s32 $0x0;
	s21 =	sor.u32 $0xE020, s0;
	[tilespmem:s10+$0x0] =	vst.add.f32.msk $0xffff, v4  }
0x11a: {  	s15 =	simm.s32 $0x400;
	s31 =	simm.s32 $0xE000;
	s22 =	sor.u32 $0xE030, s0;
	[tilespmem:s21+$0x0] =	vst.add.f32.msk $0xffff, v5  }
0x11b: {  	s18 =	sor.u32 $0xE040, s0;
	s17 =	sor.u32 $0xE050, s0;
	s16 =	sor.u32 $0xE060, s0;
	[tilespmem:s22+$0x0] =	vst.add.f32.msk $0xffff, v6  }
.LBB2_13:
0x11c: {  	s0 =	sand.u32 $0x1C00, s15;
	s14 =	sadd.s32 $0x80, s14;
	[tilespmem:s18+$0x0] =	vst.add.f32.msk $0xffff, v2;
	s12 =	sadd.s32 $0x10, s12  }
0x11d: {  	s7 =	sand.u32 $0x380, s12;
	s10 =	sor.u32 s0, s12;
	p1 =	slt.u32 s14, $0x1F80;
	[tilespmem:s17+$0x0] =	vst.add.f32.msk $0xffff, v1  }
0x11e: {  	s0 =	sor.u32 s7, s0;
	s7 =	sor.u32 $0x70, s10;
	[tilespmem:s16+$0x0] =	vst.add.f32.msk $0xffff, v0  }
0x11f: {  	s10 =	sor.u32 $0xE000, s0;
	s20 =	sor.u32 $0xE010, s0;
	s21 =	sor.u32 $0xE020, s0;
	v0 =	vld [tilespmem:s7+$0x2000]  }
0x120: {  	s22 =	sor.u32 $0xE030, s0;
	s18 =	sor.u32 $0xE040, s0;
	s17 =	sor.u32 $0xE050, s0;
	v3 =	vld [tilespmem:s0+$0x2000]  }
0x121: {  	s16 =	sor.u32 $0xE060, s0;
	v4 =	vld [tilespmem:s0+$0x2010]  }
0x122: {  	v5 =	vld [tilespmem:s0+$0x2020]  }
0x123: {  	v6 =	vld [tilespmem:s0+$0x2030]  }
0x124: {  	[tilespmem:s7+$0xE000] =	vst.add.f32.msk $0xffff, v0  }
0x125: {  	v2 =	vld [tilespmem:s0+$0x2040]  }
0x126: {  	v1 =	vld [tilespmem:s0+$0x2050]  }
.Ltmp5:
0x127: {  	v0 =	vld [tilespmem:s0+$0x2060];
	(pc) =	sbr.rel @p1 .LBB2_13-.Ltmp5, $4  }
0x128: {  	[tilespmem:s10+$0x0] =	vst.add.f32.msk $0xffff, v3  }
0x129: {  	[tilespmem:s20+$0x0] =	vst.add.f32.msk $0xffff, v4  }
0x12a: {  	[tilespmem:s21+$0x0] =	vst.add.f32.msk $0xffff, v5  }
0x12b: {  	s15 =	sadd.s32 $0x400, s15;
	[tilespmem:s22+$0x0] =	vst.add.f32.msk $0xffff, v6  }
0x12c: {  	[tilespmem:s18+$0x0] =	vst.add.f32.msk $0xffff, v2  }
0x12d: {  	[tilespmem:s17+$0x0] =	vst.add.f32.msk $0xffff, v1  }
0x12e: {  	[tilespmem:s16+$0x0] =	vst.add.f32.msk $0xffff, v0;
	s0 =	sadd.s32 s4, s13  }
0x12f: {  	[hbm4b:s0+s5] =	stream.linear.scatter [tilespmem:s31], [sflag:$0x10], $0x2000, $0x38;
	[tilespmem:$0x14000] =	vst v63  }
0x130: {  	s0 =	simm.s32 @!p0 $0xD  }
0x131: {  	_ =	swait.ge @!p0 [sflag:s0], $0x2000  }
0x132: {  	[sflag:s0] =	ssyncset.done @!p0 $0x0  }
0x133: {  	s7 =	simm.s32 @!p0 $0x0;
	[sflag:s0] =	ssyncadd.s32 @!p0 $0xFFFFE000;
	s0 =	rddreg [dreg:$0x13]  }
0x134: {  	s10 =	simm.s32 @!p0 $0x8000;
	s12 =	simm.s32 $0x0;
	s0 =	sadd.s32 @!p0 s0, s26  }
0x135: {  	[tilespmem:s10], [sflag:$0x5] =	stream.linear.gather @!p0 [hbm4b:s0+s7], $0x2000, $0x38;
	[tilespmem:$0x14000] =	vst v63  }
0x136: {  	s16 =	sand.u32 $0x1C00, s12;
	_ =	swait.ge [sflag:s23], $0x2000  }
0x137: {  	s17 =	sor.u32 s16, s12;
	[sflag:s23] =	ssyncset.done $0x0  }
0x138: {  	s18 =	sand.u32 $0x380, s12;
	s7 =	sor.u32 $0x70, s17;
	[sflag:s23] =	ssyncadd.s32 $0xFFFFE000  }
0x139: {  	s0 =	sor.u32 s18, s16;
	v0 =	vld [tilespmem:s7+$0x2000]  }
0x13a: {  	v3 =	vld [tilespmem:s0+$0x2000]  }
0x13b: {  	v4 =	vld [tilespmem:s0+$0x2010]  }
0x13c: {  	v5 =	vld [tilespmem:s0+$0x2020]  }
0x13d: {  	v6 =	vld [tilespmem:s0+$0x2030]  }
0x13e: {  	v2 =	vld [tilespmem:s0+$0x2040]  }
0x13f: {  	v1 =	vld [tilespmem:s0+$0x2050]  }
0x140: {  	[tilespmem:s7+$0x10000] =	vst.add.f32.msk $0xffff, v0  }
0x141: {  	s20 =	sor.u32 $0x10000, s0;
	v0 =	vld [tilespmem:s0+$0x2060]  }
0x142: {  	s10 =	sor.u32 $0x10010, s0;
	[tilespmem:s20+$0x0] =	vst.add.f32.msk $0xffff, v3  }
0x143: {  	s21 =	sor.u32 $0x10020, s0;
	[tilespmem:s10+$0x0] =	vst.add.f32.msk $0xffff, v4  }
0x144: {  	s13 =	simm.s32 $0x0;
	s14 =	simm.s32 $0x400;
	s22 =	sor.u32 $0x10030, s0;
	[tilespmem:s21+$0x0] =	vst.add.f32.msk $0xffff, v5  }
0x145: {  	s17 =	sor.u32 $0x10040, s0;
	s16 =	sor.u32 $0x10050, s0;
	s15 =	sor.u32 $0x10060, s0;
	[tilespmem:s22+$0x0] =	vst.add.f32.msk $0xffff, v6  }
.LBB2_15:
0x146: {  	s0 =	sand.u32 $0x1C00, s14;
	s13 =	sadd.s32 $0x80, s13;
	[tilespmem:s17+$0x0] =	vst.add.f32.msk $0xffff, v2;
	s12 =	sadd.s32 $0x10, s12  }
0x147: {  	s7 =	sand.u32 $0x380, s12;
	s10 =	sor.u32 s0, s12;
	p1 =	slt.u32 s13, $0x1F80;
	[tilespmem:s16+$0x0] =	vst.add.f32.msk $0xffff, v1  }
0x148: {  	s0 =	sor.u32 s7, s0;
	s7 =	sor.u32 $0x70, s10;
	[tilespmem:s15+$0x0] =	vst.add.f32.msk $0xffff, v0  }
0x149: {  	s10 =	sor.u32 $0x10000, s0;
	s18 =	sor.u32 $0x10010, s0;
	s20 =	sor.u32 $0x10020, s0;
	v0 =	vld [tilespmem:s7+$0x2000]  }
0x14a: {  	s21 =	sor.u32 $0x10030, s0;
	s17 =	sor.u32 $0x10040, s0;
	s16 =	sor.u32 $0x10050, s0;
	v3 =	vld [tilespmem:s0+$0x2000]  }
0x14b: {  	s15 =	sor.u32 $0x10060, s0;
	v4 =	vld [tilespmem:s0+$0x2010]  }
0x14c: {  	v5 =	vld [tilespmem:s0+$0x2020]  }
0x14d: {  	v6 =	vld [tilespmem:s0+$0x2030]  }
0x14e: {  	[tilespmem:s7+$0x10000] =	vst.add.f32.msk $0xffff, v0  }
0x14f: {  	v2 =	vld [tilespmem:s0+$0x2040]  }
0x150: {  	v1 =	vld [tilespmem:s0+$0x2050]  }
.Ltmp6:
0x151: {  	v0 =	vld [tilespmem:s0+$0x2060];
	(pc) =	sbr.rel @p1 .LBB2_15-.Ltmp6, $4  }
0x152: {  	[tilespmem:s10+$0x0] =	vst.add.f32.msk $0xffff, v3  }
0x153: {  	[tilespmem:s18+$0x0] =	vst.add.f32.msk $0xffff, v4  }
0x154: {  	[tilespmem:s20+$0x0] =	vst.add.f32.msk $0xffff, v5  }
0x155: {  	s14 =	sadd.s32 $0x400, s14;
	[tilespmem:s21+$0x0] =	vst.add.f32.msk $0xffff, v6  }
0x156: {  	[tilespmem:s17+$0x0] =	vst.add.f32.msk $0xffff, v2  }
0x157: {  	[tilespmem:s16+$0x0] =	vst.add.f32.msk $0xffff, v1  }
0x158: {  	[tilespmem:s15+$0x0] =	vst.add.f32.msk $0xffff, v0;
	s0 =	sadd.s32 s4, s6;
	s3 =	simm.s32 $0x10000  }
0x159: {  	[hbm4b:s0+s5] =	stream.linear.scatter [tilespmem:s3], [sflag:$0x11], $0x2000, $0x38;
	[tilespmem:$0x14000] =	vst v63  }
0x15a: {  	s0 =	simm.s32 @!p0 $0xE  }
0x15b: {  	_ =	swait.ge @!p0 [sflag:s0], $0x2000  }
0x15c: {  	[sflag:s0] =	ssyncset.done @!p0 $0x0  }
0x15d: {  	[sflag:s0] =	ssyncadd.s32 @!p0 $0xFFFFE000;
	s0 =	rddreg [dreg:$0x14]  }
0x15e: {  	s6 =	simm.s32 @!p0 $0x0;
	s7 =	simm.s32 @!p0 $0xA000;
	s0 =	sadd.s32 @!p0 s0, s26  }
0x15f: {  	[tilespmem:s7], [sflag:$0x6] =	stream.linear.gather @!p0 [hbm4b:s0+s6], $0x2000, $0x38;
	[tilespmem:$0x14000] =	vst v63  }
0x160: {  	s6 =	simm.s32 $0x0  }
0x161: {  	_ =	swait.ge [sflag:s24], $0x2000;
	s18 =	sand.u32 $0x1C00, s6  }
0x162: {  	[sflag:s24] =	ssyncset.done $0x0;
	s20 =	sor.u32 s18, s6  }
0x163: {  	s10 =	sand.u32 $0x380, s6;
	[sflag:s24] =	ssyncadd.s32 $0xFFFFE000;
	s7 =	sor.u32 $0x70, s20  }
0x164: {  	s0 =	sor.u32 s10, s18;
	v0 =	vld [tilespmem:s7+$0x2000]  }
0x165: {  	v3 =	vld [tilespmem:s0+$0x2000]  }
0x166: {  	v4 =	vld [tilespmem:s0+$0x2010]  }
0x167: {  	v5 =	vld [tilespmem:s0+$0x2020]  }
0x168: {  	v6 =	vld [tilespmem:s0+$0x2030]  }
0x169: {  	v2 =	vld [tilespmem:s0+$0x2040]  }
0x16a: {  	v1 =	vld [tilespmem:s0+$0x2050]  }
0x16b: {  	[tilespmem:s7+$0x12000] =	vst.add.f32.msk $0xffff, v0  }
0x16c: {  	s21 =	sor.u32 $0x12000, s0;
	v0 =	vld [tilespmem:s0+$0x2060]  }
0x16d: {  	s10 =	sor.u32 $0x12010, s0;
	[tilespmem:s21+$0x0] =	vst.add.f32.msk $0xffff, v3  }
0x16e: {  	s22 =	sor.u32 $0x12020, s0;
	[tilespmem:s10+$0x0] =	vst.add.f32.msk $0xffff, v4  }
0x16f: {  	s12 =	simm.s32 $0x0;
	s13 =	simm.s32 $0x400;
	s26 =	sor.u32 $0x12030, s0;
	[tilespmem:s22+$0x0] =	vst.add.f32.msk $0xffff, v5  }
0x170: {  	s16 =	sor.u32 $0x12040, s0;
	s15 =	sor.u32 $0x12050, s0;
	s14 =	sor.u32 $0x12060, s0;
	[tilespmem:s26+$0x0] =	vst.add.f32.msk $0xffff, v6  }
.LBB2_17:
0x171: {  	s0 =	sand.u32 $0x1C00, s13;
	s12 =	sadd.s32 $0x80, s12;
	[tilespmem:s16+$0x0] =	vst.add.f32.msk $0xffff, v2;
	s6 =	sadd.s32 $0x10, s6  }
0x172: {  	s7 =	sand.u32 $0x380, s6;
	s10 =	sor.u32 s0, s6;
	p0 =	slt.u32 s12, $0x1F80;
	[tilespmem:s15+$0x0] =	vst.add.f32.msk $0xffff, v1  }
0x173: {  	s0 =	sor.u32 s7, s0;
	s7 =	sor.u32 $0x70, s10;
	[tilespmem:s14+$0x0] =	vst.add.f32.msk $0xffff, v0  }
0x174: {  	s10 =	sor.u32 $0x12000, s0;
	s17 =	sor.u32 $0x12010, s0;
	s18 =	sor.u32 $0x12020, s0;
	v0 =	vld [tilespmem:s7+$0x2000]  }
0x175: {  	s20 =	sor.u32 $0x12030, s0;
	s16 =	sor.u32 $0x12040, s0;
	s15 =	sor.u32 $0x12050, s0;
	v3 =	vld [tilespmem:s0+$0x2000]  }
0x176: {  	s14 =	sor.u32 $0x12060, s0;
	v4 =	vld [tilespmem:s0+$0x2010]  }
0x177: {  	v5 =	vld [tilespmem:s0+$0x2020]  }
0x178: {  	v6 =	vld [tilespmem:s0+$0x2030]  }
0x179: {  	[tilespmem:s7+$0x12000] =	vst.add.f32.msk $0xffff, v0  }
0x17a: {  	v2 =	vld [tilespmem:s0+$0x2040]  }
0x17b: {  	v1 =	vld [tilespmem:s0+$0x2050]  }
.Ltmp7:
0x17c: {  	v0 =	vld [tilespmem:s0+$0x2060];
	(pc) =	sbr.rel @p0 .LBB2_17-.Ltmp7, $4  }
0x17d: {  	[tilespmem:s10+$0x0] =	vst.add.f32.msk $0xffff, v3  }
0x17e: {  	[tilespmem:s17+$0x0] =	vst.add.f32.msk $0xffff, v4  }
0x17f: {  	[tilespmem:s18+$0x0] =	vst.add.f32.msk $0xffff, v5  }
0x180: {  	s13 =	sadd.s32 $0x400, s13;
	[tilespmem:s20+$0x0] =	vst.add.f32.msk $0xffff, v6  }
0x181: {  	s25 =	sadd.s32 $0x1, s25  }
0x182: {  	p0 =	sne.s32 s25, $0x10  }
.Ltmp8:
0x183: {  	_ = 	snop;
	(pc) =	sbr.rel @p0 .LBB2_2-.Ltmp8, $4  }
0x184: {  	[tilespmem:s16+$0x0] =	vst.add.f32.msk $0xffff, v2  }
0x185: {  	[tilespmem:s15+$0x0] =	vst.add.f32.msk $0xffff, v1  }
0x186: {  	[tilespmem:s14+$0x0] =	vst.add.f32.msk $0xffff, v0;
	s0 =	sadd.s32 s4, s2;
	s26 =	simm.s32 $0x12000  }
0x187: {  	[hbm4b:s0+s5] =	stream.linear.scatter [tilespmem:s26], [sflag:$0x12], $0x2000, $0x38;
	[tilespmem:$0x14000] =	vst v63  }
0x188: {  	s0 =	simm.s32 $0xB  }
0x189: {  	_ =	swait.ge [sflag:s0], $0x2000  }
0x18a: {  	[sflag:s0] =	ssyncset.done $0x0  }
0x18b: {  	s17 =	simm.s32 $0xC;
	[sflag:s0] =	ssyncadd.s32 $0xFFFFE000  }
0x18c: {  	_ =	swait.ge [sflag:s17], $0x2000  }
0x18d: {  	[sflag:s17] =	ssyncset.done $0x0  }
0x18e: {  	s18 =	simm.s32 $0xD;
	[sflag:s17] =	ssyncadd.s32 $0xFFFFE000  }
0x18f: {  	_ =	swait.ge [sflag:s18], $0x2000  }
0x190: {  	[sflag:s18] =	ssyncset.done $0x0  }
0x191: {  	s20 =	simm.s32 $0xE;
	[sflag:s18] =	ssyncadd.s32 $0xFFFFE000  }
0x192: {  	_ =	swait.ge [sflag:s20], $0x2000  }
0x193: {  	[sflag:s20] =	ssyncset.done $0x0  }
0x194: {  	s21 =	simm.s32 $0xF;
	[sflag:s20] =	ssyncadd.s32 $0xFFFFE000  }
0x195: {  	_ =	swait.ge [sflag:s21], $0x2000  }
0x196: {  	[sflag:s21] =	ssyncset.done $0x0  }
0x197: {  	s22 =	simm.s32 $0x10;
	[sflag:s21] =	ssyncadd.s32 $0xFFFFE000  }
0x198: {  	_ =	swait.ge [sflag:s22], $0x2000  }
0x199: {  	[sflag:s22] =	ssyncset.done $0x0  }
0x19a: {  	s25 =	simm.s32 $0x11;
	[sflag:s22] =	ssyncadd.s32 $0xFFFFE000  }
0x19b: {  	_ =	swait.ge [sflag:s25], $0x2000  }
0x19c: {  	[sflag:s25] =	ssyncset.done $0x0  }
0x19d: {  	s2 =	simm.s32 $0x12;
	[sflag:s25] =	ssyncadd.s32 $0xFFFFE000  }
0x19e: {  	_ =	swait.ge [sflag:s2], $0x2000  }
0x19f: {  	s3 =	rddreg [dreg:$0x15]  }
0x1a0: {  	s26 =	rddreg [dreg:$0x11];
	s3 =	sadd.s32 $0x1, s3  }
0x1a1: {  	p0 =	sne.s32 s3, s26  }
.Ltmp9:
0x1a2: {  	_ = 	snop;
	(pc) =	sbr.rel @p0 .LBB2_1-.Ltmp9, $3  }
0x1a3: {  	_ =	sdelay $0x1  }
0x1a4: {  	[sflag:s2] =	ssyncset.done $0x0  }
0x1a5: {  	[sflag:s2] =	ssyncadd.s32 $0xFFFFE000  }
0x1a6: {  	_ =	sfence.sel $0x180000  }
0x1a7: {  	[bflag:$0x0] =	sbarrier.arrive $0xFFFF  }
0x1a8: {  	_ =	strace $0x90000047  }
0x1a9: {  	s0 =	stileid.u32;
	[bflag:$0x2] =	sbarrier.arrive $0xFFFF  }
0x1aa: {  	p0 =	sne.s32 s0, $0x0;
	s0 =	rddreg [dreg:$0x3]  }
0x1ab: {  	s0 =	sadd.s32 @!p0 $0x100000, s0  }
0x1ac: {  	[sflag:s0] =	ssyncadd.tile.s32 @!p0 $0x1;
	_ =	shalt  }
.Lfunc_end2:
_tile_overlayer_lowered:
.L_overlay_start_2:
0x1ad: {  	(tag) =	ssettag $0x2  }
0x1ae: {  	s0 =	rddreg [dreg:$0x0];
	s2 =	stileid.u32  }
0x1af: {  	s1 =	rddreg [dreg:$0x1];
	p0 =	sne.s32 s2, $0x0  }
0x1b0: {  	s3 =	rddreg [dreg:$0x2];
	[bflag:$0x3] =	sbarrier.arrive $0xFFFF;
	s2 =	simm.s32 @!p0 $0x1C13  }
0x1b1: {  	[timem:s3], [sflag:s2] =	dma.local @!p0 [hbm:s0], s1  }
0x1b2: {  	s0 =	simm.s32 @!p0 $0x13  }
0x1b3: {  	_ =	swait.ge @!p0 [sflag:s0], s1  }
0x1b4: {  	s1 =	ssub.s32 @!p0 $0x0, s1;
	[sflag:s0] =	ssyncset.done @!p0 $0x0  }
0x1b5: {  	[sflag:s0] =	ssyncadd.s32 @!p0 s1  }
0x1b6: {  	[bflag:$0x3] =	sbarrier.arrive $0xFFFF  }
0x1b7: {  	_ =	shalt  }

</sc_bundles>
